<compile_context>
chip_gen: v7x
topology: tpu7x:2x2x1
jax: 0.10.2.dev20260603
libtpu: 0.0.44.dev20260713+nightly
codegen_flags: <defaults>
</compile_context>

<pallas_src>
import functools

import jax
import jax.numpy as jnp
from jax import lax
from jax.experimental import pallas as pl
from jax.experimental.pallas import tpu as pltpu
from jax.experimental.pallas import tpu_sc as plsc


def _make_gather(S, B0, V, D, SP):
    info = plsc.get_sparse_core_info()
    nc, ns = info.num_cores, info.num_subcores
    nw = nc * ns
    bw = B0 // nw
    L = info.num_lanes
    ng = bw // L

    mesh = plsc.VectorSubcoreMesh(core_axis_name="c", subcore_axis_name="s")

    @functools.partial(
        pl.kernel,
        mesh=mesh,
        compiler_params=pltpu.CompilerParams(
            use_tc_tiling_on_sc=False, needs_layout_passes=False
        ),
        out_type=jax.ShapeDtypeStruct((S, D, B0), jnp.float32),
        scratch_types=[
            pltpu.VMEM((S, bw), jnp.int32),
            pltpu.VMEM((4, bw, D), jnp.float32),
            pltpu.VMEM((2, D, bw), jnp.float32),
            [pltpu.SemaphoreType.DMA] * 4,
            [pltpu.SemaphoreType.DMA] * 2,
        ],
    )
    def gather_kernel(xp_hbm, t_hbm, out_hbm, idx_v, gath_v, block_v,
                      gsems, osems):
        wid = lax.axis_index("s") * nc + lax.axis_index("c")
        b0 = wid * bw
        pltpu.sync_copy(xp_hbm.at[pl.ds(0, S), pl.ds(b0, bw)], idx_v)

        def fire(s, buf):
            pltpu.async_copy(
                t_hbm.at[idx_v.at[s]], gath_v.at[buf], gsems[buf]
            )

        def wait_gather(buf):
            pltpu.make_async_copy(
                t_hbm.at[pl.ds(0, bw), :], gath_v.at[buf], gsems[buf]
            ).wait()

        rows = lax.broadcasted_iota(jnp.int32, (L,), 0)

        def transpose_block(gbuf, bbuf):
            def per_d(d, _):
                dv = rows * 0 + d
                for g in range(ng):
                    vals = plsc.load_gather(
                        gath_v.at[gbuf], [rows + g * L, dv]
                    )
                    block_v[bbuf, d, pl.ds(g * L, L)] = vals
                return _

            lax.fori_loop(0, D, per_d, None)

        def store_block(s, buf):
            pltpu.async_copy(
                block_v.at[buf], out_hbm.at[s, :, pl.ds(b0, bw)], osems[buf]
            )

        def wait_store(buf):
            pltpu.make_async_copy(
                block_v.at[buf], out_hbm.at[0, :, pl.ds(b0, bw)], osems[buf]
            ).wait()

        fire(0, 0)
        fire(1, 1)
        fire(2, 2)

        def step(s, gbuf, bbuf):
            @pl.when(s + 3 < S)
            def _fire_ahead():
                fire(s + 3, (gbuf + 3) % 4)

            wait_gather(gbuf)

            @pl.when(s >= 2)
            def _drain_store():
                wait_store(bbuf)

            transpose_block(gbuf, bbuf)
            store_block(s, bbuf)

        def per_quad(q, _):
            s = 4 * q
            step(s, 0, 0)
            step(s + 1, 1, 1)
            step(s + 2, 2, 0)
            step(s + 3, 3, 1)
            return _

        lax.fori_loop(0, S // 4, per_quad, None)
        step(S - 2, 0, 0)
        step(S - 1, 1, 1)
        wait_store(0)
        wait_store(1)

    return gather_kernel


def kernel(x, table):
    B0, S = x.shape
    V, D = table.shape
    t_rm = table
    SP = 56
    xp = jnp.pad(x.T, ((0, SP - S), (0, 0)))
    outT = _make_gather(S, B0, V, D, SP)(xp, t_rm)
    return outT.transpose(2, 0, 1)

# --- scband reference (transcript-rebuilt; emitter-appended) ---
"""Pipeline reference for scband-same-radical-embedding-24326694764853 (READ-ONLY COPY).

The authoritative reference and input builder live on the scoring server;
editing this copy changes nothing except your own understanding.
"""

import jax, jax.numpy as jnp
import numpy as np

VOCAB = 1000000
EMBED_DIM = 32
INPUT_DIM = (50,)

def setup_inputs(seed: int = 0) -> dict:
    key = jax.random.key(seed)
    k1, k2 = jax.random.split(key)
    x = jax.random.randint(k1, (4096, 50), 0, VOCAB, dtype=jnp.int64 if jax.config.jax_enable_x64 else jnp.int32).astype(jnp.int32)
    table = jax.random.normal(k2, (VOCAB, EMBED_DIM), dtype=jnp.float32)
    return {"x": x, "table": table}

def reference(x, table):
    batch_size = x.shape[0]
    x_flat = x.reshape(-1, INPUT_DIM[-1])
    embedded = jnp.take(table, x_flat, axis=0)
    embedded = embedded.reshape((batch_size,) + INPUT_DIM + (EMBED_DIM,))
    return embedded

if __name__ == "__main__":
    import jax
    _d = setup_inputs()
    print(jax.jit(kernel)(*tuple(_d.values())))

</pallas_src>

<mosaic_0001>
#map = affine_map<(d0, d1) -> (0, 0)>
#map1 = affine_map<(d0, d1) -> (0, 0, 0)>
module attributes {stable_mosaic.version = 14 : i64} {
  func.func @gather_kernel(%arg0: i32, %arg1: i32, %arg2: memref<56x4096xi32, #tpu.memory_space<hbm>>, %arg3: memref<1000000x32xf32, #tpu.memory_space<hbm>>, %arg4: memref<50x32x4096xf32, #tpu.memory_space<hbm>>, %arg5: memref<50x128xi32, #tpu.memory_space<vmem>>, %arg6: memref<4x128x32xf32, #tpu.memory_space<vmem>>, %arg7: memref<2x32x128xf32, #tpu.memory_space<vmem>>, %arg8: memref<!tpu.dma_semaphore, #tpu.memory_space<semaphore_mem>>, %arg9: memref<!tpu.dma_semaphore, #tpu.memory_space<semaphore_mem>>, %arg10: memref<!tpu.dma_semaphore, #tpu.memory_space<semaphore_mem>>, %arg11: memref<!tpu.dma_semaphore, #tpu.memory_space<semaphore_mem>>, %arg12: memref<!tpu.dma_semaphore, #tpu.memory_space<semaphore_mem>>, %arg13: memref<!tpu.dma_semaphore, #tpu.memory_space<semaphore_mem>>) attributes {dimension_semantics = [#tpu.dimension_semantics<core_parallel>, #tpu.dimension_semantics<subcore_parallel>], iteration_bounds = array<i64: 2, 16>, scalar_prefetch = 0 : i64, scratch_operands = 9 : i64, tpu.core_type = #tpu.core_type<sc_vector_subcore>, window_params = [{transform_indices = #map}, {transform_indices = #map}, {transform_indices = #map1}]} {
    %mul3A = arith.constant 2 : i32
    %mul3A_0 = arith.muli %arg1, %mul3A : i32
    %add3A = arith.addi %mul3A_0, %arg0 : i32
    %mul3A_1 = arith.constant 128 : i32
    %mul3A_2 = arith.muli %add3A, %mul3A_1 : i32
    "tpu.region"() ({
      %run_scoped3A = tpu.sem_alloc : memref<!tpu.dma_semaphore, #tpu.memory_space<semaphore_mem>>
      %dma_start3A_177 = arith.constant 0 : i32
      %dma_start3A_178 = tpu.memref_slice %arg2[%dma_start3A_177, %mul3A_2] : memref<56x4096xi32, #tpu.memory_space<hbm>> -> memref<50x128xi32, #tpu.memory_space<hbm>>
      %dma_start3A_179 = arith.constant 0 : i32
      %dma_start3A_180 = tpu.memref_slice %arg2[%dma_start3A_179, %mul3A_2] : memref<56x4096xi32, #tpu.memory_space<hbm>> -> memref<50x128xi32, #tpu.memory_space<hbm>>
      tpu.enqueue_dma source(%dma_start3A_180 : memref<50x128xi32, #tpu.memory_space<hbm>>) target(%arg5 : memref<50x128xi32, #tpu.memory_space<vmem>>) target_semaphore(%run_scoped3A : memref<!tpu.dma_semaphore, #tpu.memory_space<semaphore_mem>>)
      %dma_wait3A_181 = arith.constant 0 : i32
      %dma_wait3A_182 = tpu.memref_slice %arg2[%dma_wait3A_181, %mul3A_2] : memref<56x4096xi32, #tpu.memory_space<hbm>> -> memref<50x128xi32, #tpu.memory_space<hbm>>
      %dma_wait3A_183 = arith.constant 0 : i32
      %dma_wait3A_184 = tpu.memref_slice %arg2[%dma_wait3A_183, %mul3A_2] : memref<56x4096xi32, #tpu.memory_space<hbm>> -> memref<50x128xi32, #tpu.memory_space<hbm>>
      tpu.wait_dma2 semaphore(%run_scoped3A : memref<!tpu.dma_semaphore, #tpu.memory_space<semaphore_mem>>) src(%dma_wait3A_184 : memref<50x128xi32, #tpu.memory_space<hbm>>) dst(%arg5 : memref<50x128xi32, #tpu.memory_space<vmem>>)
      tpu.yield
    }) : () -> ()
    %iota3A = tpu.iota {dimensions = array<i32: 0>} : vector<16xi32>
    %dma_start3A = arith.constant 0 : i32
    %dma_start3A_3 = arith.constant 0 : i32
    %dma_start3A_4 = arith.constant 0 : i32
    %dma_start3A_5 = arith.constant 0 : i32
    %dma_start3A_6 = tpu.memref_slice %arg6[%dma_start3A_3, %dma_start3A_4, %dma_start3A_5] : memref<4x128x32xf32, #tpu.memory_space<vmem>> -> memref<1x128x32xf32, #tpu.memory_space<vmem>>
    %dma_start3A_7 = tpu.memref_squeeze %dma_start3A_6 : memref<1x128x32xf32, #tpu.memory_space<vmem>> -> memref<128x32xf32, #tpu.memory_space<vmem>>
    %dma_start3A_8 = arith.constant 0 : i32
    %dma_start3A_9 = tpu.memref_slice %arg5[%dma_start3A, %dma_start3A_8] : memref<50x128xi32, #tpu.memory_space<vmem>> -> memref<1x128xi32, #tpu.memory_space<vmem>>
    %dma_start3A_10 = tpu.memref_squeeze %dma_start3A_9 : memref<1x128xi32, #tpu.memory_space<vmem>> -> memref<128xi32, #tpu.memory_space<vmem>>
    %dma_start3A_11 = arith.constant 0 : i32
    %dma_start3A_12 = arith.constant 0 : i32
    %dma_start3A_13 = tpu.memref_slice %arg3[%dma_start3A_11, %dma_start3A_12] : memref<1000000x32xf32, #tpu.memory_space<hbm>> -> memref<1000000x32xf32, #tpu.memory_space<hbm>>
    tpu.enqueue_indirect_dma source(%dma_start3A_13 : memref<1000000x32xf32, #tpu.memory_space<hbm>>) target(%dma_start3A_7 : memref<128x32xf32, #tpu.memory_space<vmem>>) offsets(%dma_start3A_10 : memref<128xi32, #tpu.memory_space<vmem>>) semaphore(%arg8 : memref<!tpu.dma_semaphore, #tpu.memory_space<semaphore_mem>>)
    %dma_start3A_14 = arith.constant 1 : i32
    %dma_start3A_15 = arith.constant 1 : i32
    %dma_start3A_16 = arith.constant 0 : i32
    %dma_start3A_17 = arith.constant 0 : i32
    %dma_start3A_18 = tpu.memref_slice %arg6[%dma_start3A_15, %dma_start3A_16, %dma_start3A_17] : memref<4x128x32xf32, #tpu.memory_space<vmem>> -> memref<1x128x32xf32, #tpu.memory_space<vmem>>
    %dma_start3A_19 = tpu.memref_squeeze %dma_start3A_18 : memref<1x128x32xf32, #tpu.memory_space<vmem>> -> memref<128x32xf32, #tpu.memory_space<vmem>>
    %dma_start3A_20 = arith.constant 0 : i32
    %dma_start3A_21 = tpu.memref_slice %arg5[%dma_start3A_14, %dma_start3A_20] : memref<50x128xi32, #tpu.memory_space<vmem>> -> memref<1x128xi32, #tpu.memory_space<vmem>>
    %dma_start3A_22 = tpu.memref_squeeze %dma_start3A_21 : memref<1x128xi32, #tpu.memory_space<vmem>> -> memref<128xi32, #tpu.memory_space<vmem>>
    %dma_start3A_23 = arith.constant 0 : i32
    %dma_start3A_24 = arith.constant 0 : i32
    %dma_start3A_25 = tpu.memref_slice %arg3[%dma_start3A_23, %dma_start3A_24] : memref<1000000x32xf32, #tpu.memory_space<hbm>> -> memref<1000000x32xf32, #tpu.memory_space<hbm>>
    tpu.enqueue_indirect_dma source(%dma_start3A_25 : memref<1000000x32xf32, #tpu.memory_space<hbm>>) target(%dma_start3A_19 : memref<128x32xf32, #tpu.memory_space<vmem>>) offsets(%dma_start3A_22 : memref<128xi32, #tpu.memory_space<vmem>>) semaphore(%arg9 : memref<!tpu.dma_semaphore, #tpu.memory_space<semaphore_mem>>)
    %dma_start3A_26 = arith.constant 2 : i32
    %dma_start3A_27 = arith.constant 2 : i32
    %dma_start3A_28 = arith.constant 0 : i32
    %dma_start3A_29 = arith.constant 0 : i32
    %dma_start3A_30 = tpu.memref_slice %arg6[%dma_start3A_27, %dma_start3A_28, %dma_start3A_29] : memref<4x128x32xf32, #tpu.memory_space<vmem>> -> memref<1x128x32xf32, #tpu.memory_space<vmem>>
    %dma_start3A_31 = tpu.memref_squeeze %dma_start3A_30 : memref<1x128x32xf32, #tpu.memory_space<vmem>> -> memref<128x32xf32, #tpu.memory_space<vmem>>
    %dma_start3A_32 = arith.constant 0 : i32
    %dma_start3A_33 = tpu.memref_slice %arg5[%dma_start3A_26, %dma_start3A_32] : memref<50x128xi32, #tpu.memory_space<vmem>> -> memref<1x128xi32, #tpu.memory_space<vmem>>
    %dma_start3A_34 = tpu.memref_squeeze %dma_start3A_33 : memref<1x128xi32, #tpu.memory_space<vmem>> -> memref<128xi32, #tpu.memory_space<vmem>>
    %dma_start3A_35 = arith.constant 0 : i32
    %dma_start3A_36 = arith.constant 0 : i32
    %dma_start3A_37 = tpu.memref_slice %arg3[%dma_start3A_35, %dma_start3A_36] : memref<1000000x32xf32, #tpu.memory_space<hbm>> -> memref<1000000x32xf32, #tpu.memory_space<hbm>>
    tpu.enqueue_indirect_dma source(%dma_start3A_37 : memref<1000000x32xf32, #tpu.memory_space<hbm>>) target(%dma_start3A_31 : memref<128x32xf32, #tpu.memory_space<vmem>>) offsets(%dma_start3A_34 : memref<128xi32, #tpu.memory_space<vmem>>) semaphore(%arg10 : memref<!tpu.dma_semaphore, #tpu.memory_space<semaphore_mem>>)
    %scan3A = arith.constant 0 : i32
    %scan3A_38 = arith.constant 12 : i32
    %scan3A_39 = arith.addi %scan3A, %scan3A_38 : i32
    %scan3A_40 = arith.constant 1 : i32
    scf.for %scan3A_177 = %scan3A to %scan3A_39 step %scan3A_40  : i32 {
      %mul3A_178 = arith.constant 4 : i32
      %mul3A_179 = arith.muli %mul3A_178, %scan3A_177 : i32
      %add3A_180 = arith.constant 3 : i32
      %add3A_181 = arith.addi %mul3A_179, %add3A_180 : i32
      %lt3A = arith.constant 50 : i32
      %lt3A_182 = arith.cmpi slt, %add3A_181, %lt3A : i32
      %convert_element_type3A = arith.extui %lt3A_182 : i1 to i32
      %cond3A = arith.constant 0 : i32
      %cond3A_183 = arith.cmpi ne, %convert_element_type3A, %cond3A : i32
      scf.if %cond3A_183 {
        %add3A_370 = arith.constant 3 : i32
        %add3A_371 = arith.addi %mul3A_179, %add3A_370 : i32
        %dma_start3A_372 = arith.constant 3 : i32
        %dma_start3A_373 = arith.constant 0 : i32
        %dma_start3A_374 = arith.constant 0 : i32
        %dma_start3A_375 = tpu.memref_slice %arg6[%dma_start3A_372, %dma_start3A_373, %dma_start3A_374] : memref<4x128x32xf32, #tpu.memory_space<vmem>> -> memref<1x128x32xf32, #tpu.memory_space<vmem>>
        %dma_start3A_376 = tpu.memref_squeeze %dma_start3A_375 : memref<1x128x32xf32, #tpu.memory_space<vmem>> -> memref<128x32xf32, #tpu.memory_space<vmem>>
        %dma_start3A_377 = arith.constant 0 : i32
        %dma_start3A_378 = tpu.memref_slice %arg5[%add3A_371, %dma_start3A_377] : memref<50x128xi32, #tpu.memory_space<vmem>> -> memref<1x128xi32, #tpu.memory_space<vmem>>
        %dma_start3A_379 = tpu.memref_squeeze %dma_start3A_378 : memref<1x128xi32, #tpu.memory_space<vmem>> -> memref<128xi32, #tpu.memory_space<vmem>>
        %dma_start3A_380 = arith.constant 0 : i32
        %dma_start3A_381 = arith.constant 0 : i32
        %dma_start3A_382 = tpu.memref_slice %arg3[%dma_start3A_380, %dma_start3A_381] : memref<1000000x32xf32, #tpu.memory_space<hbm>> -> memref<1000000x32xf32, #tpu.memory_space<hbm>>
        tpu.enqueue_indirect_dma source(%dma_start3A_382 : memref<1000000x32xf32, #tpu.memory_space<hbm>>) target(%dma_start3A_376 : memref<128x32xf32, #tpu.memory_space<vmem>>) offsets(%dma_start3A_379 : memref<128xi32, #tpu.memory_space<vmem>>) semaphore(%arg11 : memref<!tpu.dma_semaphore, #tpu.memory_space<semaphore_mem>>)
      } else {
      }
      %dma_wait3A_184 = arith.constant 0 : i32
      %dma_wait3A_185 = arith.constant 0 : i32
      %dma_wait3A_186 = arith.constant 0 : i32
      %dma_wait3A_187 = tpu.memref_slice %arg6[%dma_wait3A_184, %dma_wait3A_185, %dma_wait3A_186] : memref<4x128x32xf32, #tpu.memory_space<vmem>> -> memref<1x128x32xf32, #tpu.memory_space<vmem>>
      %dma_wait3A_188 = tpu.memref_squeeze %dma_wait3A_187 : memref<1x128x32xf32, #tpu.memory_space<vmem>> -> memref<128x32xf32, #tpu.memory_space<vmem>>
      %dma_wait3A_189 = arith.constant 0 : i32
      %dma_wait3A_190 = arith.constant 0 : i32
      %dma_wait3A_191 = tpu.memref_slice %arg3[%dma_wait3A_189, %dma_wait3A_190] : memref<1000000x32xf32, #tpu.memory_space<hbm>> -> memref<128x32xf32, #tpu.memory_space<hbm>>
      %dma_wait3A_192 = arith.constant 0 : i32
      %dma_wait3A_193 = arith.constant 0 : i32
      %dma_wait3A_194 = tpu.memref_slice %arg6[%dma_wait3A_184, %dma_wait3A_192, %dma_wait3A_193] : memref<4x128x32xf32, #tpu.memory_space<vmem>> -> memref<1x128x32xf32, #tpu.memory_space<vmem>>
      %dma_wait3A_195 = tpu.memref_squeeze %dma_wait3A_194 : memref<1x128x32xf32, #tpu.memory_space<vmem>> -> memref<128x32xf32, #tpu.memory_space<vmem>>
      %dma_wait3A_196 = arith.constant 0 : i32
      %dma_wait3A_197 = arith.constant 0 : i32
      %dma_wait3A_198 = tpu.memref_slice %arg3[%dma_wait3A_196, %dma_wait3A_197] : memref<1000000x32xf32, #tpu.memory_space<hbm>> -> memref<128x32xf32, #tpu.memory_space<hbm>>
      tpu.wait_dma2 semaphore(%arg8 : memref<!tpu.dma_semaphore, #tpu.memory_space<semaphore_mem>>) src(%dma_wait3A_198 : memref<128x32xf32, #tpu.memory_space<hbm>>) dst(%dma_wait3A_195 : memref<128x32xf32, #tpu.memory_space<vmem>>)
      %ge3A = arith.constant 2 : i32
      %ge3A_199 = arith.cmpi sge, %mul3A_179, %ge3A : i32
      %convert_element_type3A_200 = arith.extui %ge3A_199 : i1 to i32
      %cond3A_201 = arith.constant 0 : i32
      %cond3A_202 = arith.cmpi ne, %convert_element_type3A_200, %cond3A_201 : i32
      scf.if %cond3A_202 {
        %dma_wait3A_370 = arith.constant 0 : i32
        %dma_wait3A_371 = arith.constant 0 : i32
        %dma_wait3A_372 = arith.constant 0 : i32
        %dma_wait3A_373 = arith.constant 0 : i32
        %dma_wait3A_374 = tpu.memref_slice %arg7[%dma_wait3A_370, %dma_wait3A_372, %dma_wait3A_373] : memref<2x32x128xf32, #tpu.memory_space<vmem>> -> memref<1x32x128xf32, #tpu.memory_space<vmem>>
        %dma_wait3A_375 = tpu.memref_squeeze %dma_wait3A_374 : memref<1x32x128xf32, #tpu.memory_space<vmem>> -> memref<32x128xf32, #tpu.memory_space<vmem>>
        %dma_wait3A_376 = arith.constant 0 : i32
        %dma_wait3A_377 = tpu.memref_slice %arg4[%dma_wait3A_371, %dma_wait3A_376, %mul3A_2] : memref<50x32x4096xf32, #tpu.memory_space<hbm>> -> memref<1x32x128xf32, #tpu.memory_space<hbm>>
        %dma_wait3A_378 = tpu.memref_squeeze %dma_wait3A_377 : memref<1x32x128xf32, #tpu.memory_space<hbm>> -> memref<32x128xf32, #tpu.memory_space<hbm>>
        %dma_wait3A_379 = arith.constant 0 : i32
        %dma_wait3A_380 = tpu.memref_slice %arg4[%dma_wait3A_371, %dma_wait3A_379, %mul3A_2] : memref<50x32x4096xf32, #tpu.memory_space<hbm>> -> memref<1x32x128xf32, #tpu.memory_space<hbm>>
        %dma_wait3A_381 = tpu.memref_squeeze %dma_wait3A_380 : memref<1x32x128xf32, #tpu.memory_space<hbm>> -> memref<32x128xf32, #tpu.memory_space<hbm>>
        %dma_wait3A_382 = arith.constant 0 : i32
        %dma_wait3A_383 = arith.constant 0 : i32
        %dma_wait3A_384 = tpu.memref_slice %arg7[%dma_wait3A_370, %dma_wait3A_382, %dma_wait3A_383] : memref<2x32x128xf32, #tpu.memory_space<vmem>> -> memref<1x32x128xf32, #tpu.memory_space<vmem>>
        %dma_wait3A_385 = tpu.memref_squeeze %dma_wait3A_384 : memref<1x32x128xf32, #tpu.memory_space<vmem>> -> memref<32x128xf32, #tpu.memory_space<vmem>>
        tpu.wait_dma2 semaphore(%arg12 : memref<!tpu.dma_semaphore, #tpu.memory_space<semaphore_mem>>) src(%dma_wait3A_385 : memref<32x128xf32, #tpu.memory_space<vmem>>) dst(%dma_wait3A_381 : memref<32x128xf32, #tpu.memory_space<hbm>>)
      } else {
      }
      %scan3A_203 = arith.constant 0 : i32
      %scan3A_204 = arith.constant 32 : i32
      %scan3A_205 = arith.addi %scan3A_203, %scan3A_204 : i32
      %scan3A_206 = arith.constant 1 : i32
      scf.for %scan3A_370 = %scan3A_203 to %scan3A_205 step %scan3A_206  : i32 {
        %mul3A_371 = arith.constant 0 : i32
        %mul3A_372 = vector.broadcast %mul3A_371 : i32 to vector<16xi32>
        %mul3A_373 = arith.muli %iota3A, %mul3A_372 : vector<16xi32>
        %add3A_374 = vector.broadcast %scan3A_370 : i32 to vector<16xi32>
        %add3A_375 = arith.addi %mul3A_373, %add3A_374 : vector<16xi32>
        %add3A_376 = arith.constant 0 : i32
        %add3A_377 = vector.broadcast %add3A_376 : i32 to vector<16xi32>
        %add3A_378 = arith.addi %iota3A, %add3A_377 : vector<16xi32>
        %gather3A = arith.constant 0 : i32
        %gather3A_379 = arith.constant 0 : i32
        %gather3A_380 = arith.constant 0 : i32
        %gather3A_381 = tpu.memref_slice %arg6[%gather3A, %gather3A_379, %gather3A_380] : memref<4x128x32xf32, #tpu.memory_space<vmem>> -> memref<1x128x32xf32, #tpu.memory_space<vmem>>
        %gather3A_382 = tpu.memref_squeeze %gather3A_381 : memref<1x128x32xf32, #tpu.memory_space<vmem>> -> memref<128x32xf32, #tpu.memory_space<vmem>>
        %gather3A_383 = tpu.vector_load_idx %gather3A_382[%add3A_378, %add3A_375] : memref<128x32xf32, #tpu.memory_space<vmem>>[vector<16xi32>, vector<16xi32>], vector<16xf32>,
        %swap3A = arith.constant 0 : i32
        %swap3A_384 = arith.index_cast %swap3A : i32 to index
        %swap3A_385 = arith.index_cast %scan3A_370 : i32 to index
        %swap3A_386 = arith.constant 0 : index
        %swap3A_387 = tpu.vector_load %arg7[%swap3A_384, %swap3A_385, %swap3A_386] {strides = array<i32>} : memref<2x32x128xf32, #tpu.memory_space<vmem>>, vector<16xf32>,
        tpu.vector_store %arg7[%swap3A_384, %swap3A_385, %swap3A_386], %gather3A_383 {strides = array<i32>} : memref<2x32x128xf32, #tpu.memory_space<vmem>>, vector<16xf32>,
        %add3A_388 = arith.constant 16 : i32
        %add3A_389 = vector.broadcast %add3A_388 : i32 to vector<16xi32>
        %add3A_390 = arith.addi %iota3A, %add3A_389 : vector<16xi32>
        %gather3A_391 = arith.constant 0 : i32
        %gather3A_392 = arith.constant 0 : i32
        %gather3A_393 = arith.constant 0 : i32
        %gather3A_394 = tpu.memref_slice %arg6[%gather3A_391, %gather3A_392, %gather3A_393] : memref<4x128x32xf32, #tpu.memory_space<vmem>> -> memref<1x128x32xf32, #tpu.memory_space<vmem>>
        %gather3A_395 = tpu.memref_squeeze %gather3A_394 : memref<1x128x32xf32, #tpu.memory_space<vmem>> -> memref<128x32xf32, #tpu.memory_space<vmem>>
        %gather3A_396 = tpu.vector_load_idx %gather3A_395[%add3A_390, %add3A_375] : memref<128x32xf32, #tpu.memory_space<vmem>>[vector<16xi32>, vector<16xi32>], vector<16xf32>,
        %swap3A_397 = arith.constant 0 : i32
        %swap3A_398 = arith.index_cast %swap3A_397 : i32 to index
        %swap3A_399 = arith.index_cast %scan3A_370 : i32 to index
        %swap3A_400 = arith.constant 16 : index
        %swap3A_401 = tpu.vector_load %arg7[%swap3A_398, %swap3A_399, %swap3A_400] {strides = array<i32>} : memref<2x32x128xf32, #tpu.memory_space<vmem>>, vector<16xf32>,
        tpu.vector_store %arg7[%swap3A_398, %swap3A_399, %swap3A_400], %gather3A_396 {strides = array<i32>} : memref<2x32x128xf32, #tpu.memory_space<vmem>>, vector<16xf32>,
        %add3A_402 = arith.constant 32 : i32
        %add3A_403 = vector.broadcast %add3A_402 : i32 to vector<16xi32>
        %add3A_404 = arith.addi %iota3A, %add3A_403 : vector<16xi32>
        %gather3A_405 = arith.constant 0 : i32
        %gather3A_406 = arith.constant 0 : i32
        %gather3A_407 = arith.constant 0 : i32
        %gather3A_408 = tpu.memref_slice %arg6[%gather3A_405, %gather3A_406, %gather3A_407] : memref<4x128x32xf32, #tpu.memory_space<vmem>> -> memref<1x128x32xf32, #tpu.memory_space<vmem>>
        %gather3A_409 = tpu.memref_squeeze %gather3A_408 : memref<1x128x32xf32, #tpu.memory_space<vmem>> -> memref<128x32xf32, #tpu.memory_space<vmem>>
        %gather3A_410 = tpu.vector_load_idx %gather3A_409[%add3A_404, %add3A_375] : memref<128x32xf32, #tpu.memory_space<vmem>>[vector<16xi32>, vector<16xi32>], vector<16xf32>,
        %swap3A_411 = arith.constant 0 : i32
        %swap3A_412 = arith.index_cast %swap3A_411 : i32 to index
        %swap3A_413 = arith.index_cast %scan3A_370 : i32 to index
        %swap3A_414 = arith.constant 32 : index
        %swap3A_415 = tpu.vector_load %arg7[%swap3A_412, %swap3A_413, %swap3A_414] {strides = array<i32>} : memref<2x32x128xf32, #tpu.memory_space<vmem>>, vector<16xf32>,
        tpu.vector_store %arg7[%swap3A_412, %swap3A_413, %swap3A_414], %gather3A_410 {strides = array<i32>} : memref<2x32x128xf32, #tpu.memory_space<vmem>>, vector<16xf32>,
        %add3A_416 = arith.constant 48 : i32
        %add3A_417 = vector.broadcast %add3A_416 : i32 to vector<16xi32>
        %add3A_418 = arith.addi %iota3A, %add3A_417 : vector<16xi32>
        %gather3A_419 = arith.constant 0 : i32
        %gather3A_420 = arith.constant 0 : i32
        %gather3A_421 = arith.constant 0 : i32
        %gather3A_422 = tpu.memref_slice %arg6[%gather3A_419, %gather3A_420, %gather3A_421] : memref<4x128x32xf32, #tpu.memory_space<vmem>> -> memref<1x128x32xf32, #tpu.memory_space<vmem>>
        %gather3A_423 = tpu.memref_squeeze %gather3A_422 : memref<1x128x32xf32, #tpu.memory_space<vmem>> -> memref<128x32xf32, #tpu.memory_space<vmem>>
        %gather3A_424 = tpu.vector_load_idx %gather3A_423[%add3A_418, %add3A_375] : memref<128x32xf32, #tpu.memory_space<vmem>>[vector<16xi32>, vector<16xi32>], vector<16xf32>,
        %swap3A_425 = arith.constant 0 : i32
        %swap3A_426 = arith.index_cast %swap3A_425 : i32 to index
        %swap3A_427 = arith.index_cast %scan3A_370 : i32 to index
        %swap3A_428 = arith.constant 48 : index
        %swap3A_429 = tpu.vector_load %arg7[%swap3A_426, %swap3A_427, %swap3A_428] {strides = array<i32>} : memref<2x32x128xf32, #tpu.memory_space<vmem>>, vector<16xf32>,
        tpu.vector_store %arg7[%swap3A_426, %swap3A_427, %swap3A_428], %gather3A_424 {strides = array<i32>} : memref<2x32x128xf32, #tpu.memory_space<vmem>>, vector<16xf32>,
        %add3A_430 = arith.constant 64 : i32
        %add3A_431 = vector.broadcast %add3A_430 : i32 to vector<16xi32>
        %add3A_432 = arith.addi %iota3A, %add3A_431 : vector<16xi32>
        %gather3A_433 = arith.constant 0 : i32
        %gather3A_434 = arith.constant 0 : i32
        %gather3A_435 = arith.constant 0 : i32
        %gather3A_436 = tpu.memref_slice %arg6[%gather3A_433, %gather3A_434, %gather3A_435] : memref<4x128x32xf32, #tpu.memory_space<vmem>> -> memref<1x128x32xf32, #tpu.memory_space<vmem>>
        %gather3A_437 = tpu.memref_squeeze %gather3A_436 : memref<1x128x32xf32, #tpu.memory_space<vmem>> -> memref<128x32xf32, #tpu.memory_space<vmem>>
        %gather3A_438 = tpu.vector_load_idx %gather3A_437[%add3A_432, %add3A_375] : memref<128x32xf32, #tpu.memory_space<vmem>>[vector<16xi32>, vector<16xi32>], vector<16xf32>,
        %swap3A_439 = arith.constant 0 : i32
        %swap3A_440 = arith.index_cast %swap3A_439 : i32 to index
        %swap3A_441 = arith.index_cast %scan3A_370 : i32 to index
        %swap3A_442 = arith.constant 64 : index
        %swap3A_443 = tpu.vector_load %arg7[%swap3A_440, %swap3A_441, %swap3A_442] {strides = array<i32>} : memref<2x32x128xf32, #tpu.memory_space<vmem>>, vector<16xf32>,
        tpu.vector_store %arg7[%swap3A_440, %swap3A_441, %swap3A_442], %gather3A_438 {strides = array<i32>} : memref<2x32x128xf32, #tpu.memory_space<vmem>>, vector<16xf32>,
        %add3A_444 = arith.constant 80 : i32
        %add3A_445 = vector.broadcast %add3A_444 : i32 to vector<16xi32>
        %add3A_446 = arith.addi %iota3A, %add3A_445 : vector<16xi32>
        %gather3A_447 = arith.constant 0 : i32
        %gather3A_448 = arith.constant 0 : i32
        %gather3A_449 = arith.constant 0 : i32
        %gather3A_450 = tpu.memref_slice %arg6[%gather3A_447, %gather3A_448, %gather3A_449] : memref<4x128x32xf32, #tpu.memory_space<vmem>> -> memref<1x128x32xf32, #tpu.memory_space<vmem>>
        %gather3A_451 = tpu.memref_squeeze %gather3A_450 : memref<1x128x32xf32, #tpu.memory_space<vmem>> -> memref<128x32xf32, #tpu.memory_space<vmem>>
        %gather3A_452 = tpu.vector_load_idx %gather3A_451[%add3A_446, %add3A_375] : memref<128x32xf32, #tpu.memory_space<vmem>>[vector<16xi32>, vector<16xi32>], vector<16xf32>,
        %swap3A_453 = arith.constant 0 : i32
        %swap3A_454 = arith.index_cast %swap3A_453 : i32 to index
        %swap3A_455 = arith.index_cast %scan3A_370 : i32 to index
        %swap3A_456 = arith.constant 80 : index
        %swap3A_457 = tpu.vector_load %arg7[%swap3A_454, %swap3A_455, %swap3A_456] {strides = array<i32>} : memref<2x32x128xf32, #tpu.memory_space<vmem>>, vector<16xf32>,
        tpu.vector_store %arg7[%swap3A_454, %swap3A_455, %swap3A_456], %gather3A_452 {strides = array<i32>} : memref<2x32x128xf32, #tpu.memory_space<vmem>>, vector<16xf32>,
        %add3A_458 = arith.constant 96 : i32
        %add3A_459 = vector.broadcast %add3A_458 : i32 to vector<16xi32>
        %add3A_460 = arith.addi %iota3A, %add3A_459 : vector<16xi32>
        %gather3A_461 = arith.constant 0 : i32
        %gather3A_462 = arith.constant 0 : i32
        %gather3A_463 = arith.constant 0 : i32
        %gather3A_464 = tpu.memref_slice %arg6[%gather3A_461, %gather3A_462, %gather3A_463] : memref<4x128x32xf32, #tpu.memory_space<vmem>> -> memref<1x128x32xf32, #tpu.memory_space<vmem>>
        %gather3A_465 = tpu.memref_squeeze %gather3A_464 : memref<1x128x32xf32, #tpu.memory_space<vmem>> -> memref<128x32xf32, #tpu.memory_space<vmem>>
        %gather3A_466 = tpu.vector_load_idx %gather3A_465[%add3A_460, %add3A_375] : memref<128x32xf32, #tpu.memory_space<vmem>>[vector<16xi32>, vector<16xi32>], vector<16xf32>,
        %swap3A_467 = arith.constant 0 : i32
        %swap3A_468 = arith.index_cast %swap3A_467 : i32 to index
        %swap3A_469 = arith.index_cast %scan3A_370 : i32 to index
        %swap3A_470 = arith.constant 96 : index
        %swap3A_471 = tpu.vector_load %arg7[%swap3A_468, %swap3A_469, %swap3A_470] {strides = array<i32>} : memref<2x32x128xf32, #tpu.memory_space<vmem>>, vector<16xf32>,
        tpu.vector_store %arg7[%swap3A_468, %swap3A_469, %swap3A_470], %gather3A_466 {strides = array<i32>} : memref<2x32x128xf32, #tpu.memory_space<vmem>>, vector<16xf32>,
        %add3A_472 = arith.constant 112 : i32
        %add3A_473 = vector.broadcast %add3A_472 : i32 to vector<16xi32>
        %add3A_474 = arith.addi %iota3A, %add3A_473 : vector<16xi32>
        %gather3A_475 = arith.constant 0 : i32
        %gather3A_476 = arith.constant 0 : i32
        %gather3A_477 = arith.constant 0 : i32
        %gather3A_478 = tpu.memref_slice %arg6[%gather3A_475, %gather3A_476, %gather3A_477] : memref<4x128x32xf32, #tpu.memory_space<vmem>> -> memref<1x128x32xf32, #tpu.memory_space<vmem>>
        %gather3A_479 = tpu.memref_squeeze %gather3A_478 : memref<1x128x32xf32, #tpu.memory_space<vmem>> -> memref<128x32xf32, #tpu.memory_space<vmem>>
        %gather3A_480 = tpu.vector_load_idx %gather3A_479[%add3A_474, %add3A_375] : memref<128x32xf32, #tpu.memory_space<vmem>>[vector<16xi32>, vector<16xi32>], vector<16xf32>,
        %swap3A_481 = arith.constant 0 : i32
        %swap3A_482 = arith.index_cast %swap3A_481 : i32 to index
        %swap3A_483 = arith.index_cast %scan3A_370 : i32 to index
        %swap3A_484 = arith.constant 112 : index
        %swap3A_485 = tpu.vector_load %arg7[%swap3A_482, %swap3A_483, %swap3A_484] {strides = array<i32>} : memref<2x32x128xf32, #tpu.memory_space<vmem>>, vector<16xf32>,
        tpu.vector_store %arg7[%swap3A_482, %swap3A_483, %swap3A_484], %gather3A_480 {strides = array<i32>} : memref<2x32x128xf32, #tpu.memory_space<vmem>>, vector<16xf32>,
      }
      %scan3A_207 = arith.constant 32 : i32
      %dma_start3A_208 = arith.constant 0 : i32
      %dma_start3A_209 = arith.constant 0 : i32
      %dma_start3A_210 = arith.constant 0 : i32
      %dma_start3A_211 = tpu.memref_slice %arg7[%dma_start3A_208, %dma_start3A_209, %dma_start3A_210] : memref<2x32x128xf32, #tpu.memory_space<vmem>> -> memref<1x32x128xf32, #tpu.memory_space<vmem>>
      %dma_start3A_212 = tpu.memref_squeeze %dma_start3A_211 : memref<1x32x128xf32, #tpu.memory_space<vmem>> -> memref<32x128xf32, #tpu.memory_space<vmem>>
      %dma_start3A_213 = arith.constant 0 : i32
      %dma_start3A_214 = tpu.memref_slice %arg4[%mul3A_179, %dma_start3A_213, %mul3A_2] : memref<50x32x4096xf32, #tpu.memory_space<hbm>> -> memref<1x32x128xf32, #tpu.memory_space<hbm>>
      %dma_start3A_215 = tpu.memref_squeeze %dma_start3A_214 : memref<1x32x128xf32, #tpu.memory_space<hbm>> -> memref<32x128xf32, #tpu.memory_space<hbm>>
      %dma_start3A_216 = arith.constant 0 : i32
      %dma_start3A_217 = tpu.memref_slice %arg4[%mul3A_179, %dma_start3A_216, %mul3A_2] : memref<50x32x4096xf32, #tpu.memory_space<hbm>> -> memref<1x32x128xf32, #tpu.memory_space<hbm>>
      %dma_start3A_218 = tpu.memref_squeeze %dma_start3A_217 : memref<1x32x128xf32, #tpu.memory_space<hbm>> -> memref<32x128xf32, #tpu.memory_space<hbm>>
      %dma_start3A_219 = arith.constant 0 : i32
      %dma_start3A_220 = arith.constant 0 : i32
      %dma_start3A_221 = tpu.memref_slice %arg7[%dma_start3A_208, %dma_start3A_219, %dma_start3A_220] : memref<2x32x128xf32, #tpu.memory_space<vmem>> -> memref<1x32x128xf32, #tpu.memory_space<vmem>>
      %dma_start3A_222 = tpu.memref_squeeze %dma_start3A_221 : memref<1x32x128xf32, #tpu.memory_space<vmem>> -> memref<32x128xf32, #tpu.memory_space<vmem>>
      tpu.enqueue_dma source(%dma_start3A_222 : memref<32x128xf32, #tpu.memory_space<vmem>>) target(%dma_start3A_218 : memref<32x128xf32, #tpu.memory_space<hbm>>) target_semaphore(%arg12 : memref<!tpu.dma_semaphore, #tpu.memory_space<semaphore_mem>>)
      %add3A_223 = arith.constant 1 : i32
      %add3A_224 = arith.addi %mul3A_179, %add3A_223 : i32
      %add3A_225 = arith.constant 3 : i32
      %add3A_226 = arith.addi %add3A_224, %add3A_225 : i32
      %lt3A_227 = arith.constant 50 : i32
      %lt3A_228 = arith.cmpi slt, %add3A_226, %lt3A_227 : i32
      %convert_element_type3A_229 = arith.extui %lt3A_228 : i1 to i32
      %cond3A_230 = arith.constant 0 : i32
      %cond3A_231 = arith.cmpi ne, %convert_element_type3A_229, %cond3A_230 : i32
      scf.if %cond3A_231 {
        %add3A_370 = arith.constant 3 : i32
        %add3A_371 = arith.addi %add3A_224, %add3A_370 : i32
        %dma_start3A_372 = arith.constant 0 : i32
        %dma_start3A_373 = arith.constant 0 : i32
        %dma_start3A_374 = arith.constant 0 : i32
        %dma_start3A_375 = tpu.memref_slice %arg6[%dma_start3A_372, %dma_start3A_373, %dma_start3A_374] : memref<4x128x32xf32, #tpu.memory_space<vmem>> -> memref<1x128x32xf32, #tpu.memory_space<vmem>>
        %dma_start3A_376 = tpu.memref_squeeze %dma_start3A_375 : memref<1x128x32xf32, #tpu.memory_space<vmem>> -> memref<128x32xf32, #tpu.memory_space<vmem>>
        %dma_start3A_377 = arith.constant 0 : i32
        %dma_start3A_378 = tpu.memref_slice %arg5[%add3A_371, %dma_start3A_377] : memref<50x128xi32, #tpu.memory_space<vmem>> -> memref<1x128xi32, #tpu.memory_space<vmem>>
        %dma_start3A_379 = tpu.memref_squeeze %dma_start3A_378 : memref<1x128xi32, #tpu.memory_space<vmem>> -> memref<128xi32, #tpu.memory_space<vmem>>
        %dma_start3A_380 = arith.constant 0 : i32
        %dma_start3A_381 = arith.constant 0 : i32
        %dma_start3A_382 = tpu.memref_slice %arg3[%dma_start3A_380, %dma_start3A_381] : memref<1000000x32xf32, #tpu.memory_space<hbm>> -> memref<1000000x32xf32, #tpu.memory_space<hbm>>
        tpu.enqueue_indirect_dma source(%dma_start3A_382 : memref<1000000x32xf32, #tpu.memory_space<hbm>>) target(%dma_start3A_376 : memref<128x32xf32, #tpu.memory_space<vmem>>) offsets(%dma_start3A_379 : memref<128xi32, #tpu.memory_space<vmem>>) semaphore(%arg8 : memref<!tpu.dma_semaphore, #tpu.memory_space<semaphore_mem>>)
      } else {
      }
      %dma_wait3A_232 = arith.constant 1 : i32
      %dma_wait3A_233 = arith.constant 0 : i32
      %dma_wait3A_234 = arith.constant 0 : i32
      %dma_wait3A_235 = tpu.memref_slice %arg6[%dma_wait3A_232, %dma_wait3A_233, %dma_wait3A_234] : memref<4x128x32xf32, #tpu.memory_space<vmem>> -> memref<1x128x32xf32, #tpu.memory_space<vmem>>
      %dma_wait3A_236 = tpu.memref_squeeze %dma_wait3A_235 : memref<1x128x32xf32, #tpu.memory_space<vmem>> -> memref<128x32xf32, #tpu.memory_space<vmem>>
      %dma_wait3A_237 = arith.constant 0 : i32
      %dma_wait3A_238 = arith.constant 0 : i32
      %dma_wait3A_239 = tpu.memref_slice %arg3[%dma_wait3A_237, %dma_wait3A_238] : memref<1000000x32xf32, #tpu.memory_space<hbm>> -> memref<128x32xf32, #tpu.memory_space<hbm>>
      %dma_wait3A_240 = arith.constant 0 : i32
      %dma_wait3A_241 = arith.constant 0 : i32
      %dma_wait3A_242 = tpu.memref_slice %arg6[%dma_wait3A_232, %dma_wait3A_240, %dma_wait3A_241] : memref<4x128x32xf32, #tpu.memory_space<vmem>> -> memref<1x128x32xf32, #tpu.memory_space<vmem>>
      %dma_wait3A_243 = tpu.memref_squeeze %dma_wait3A_242 : memref<1x128x32xf32, #tpu.memory_space<vmem>> -> memref<128x32xf32, #tpu.memory_space<vmem>>
      %dma_wait3A_244 = arith.constant 0 : i32
      %dma_wait3A_245 = arith.constant 0 : i32
      %dma_wait3A_246 = tpu.memref_slice %arg3[%dma_wait3A_244, %dma_wait3A_245] : memref<1000000x32xf32, #tpu.memory_space<hbm>> -> memref<128x32xf32, #tpu.memory_space<hbm>>
      tpu.wait_dma2 semaphore(%arg9 : memref<!tpu.dma_semaphore, #tpu.memory_space<semaphore_mem>>) src(%dma_wait3A_246 : memref<128x32xf32, #tpu.memory_space<hbm>>) dst(%dma_wait3A_243 : memref<128x32xf32, #tpu.memory_space<vmem>>)
      %ge3A_247 = arith.constant 2 : i32
      %ge3A_248 = arith.cmpi sge, %add3A_224, %ge3A_247 : i32
      %convert_element_type3A_249 = arith.extui %ge3A_248 : i1 to i32
      %cond3A_250 = arith.constant 0 : i32
      %cond3A_251 = arith.cmpi ne, %convert_element_type3A_249, %cond3A_250 : i32
      scf.if %cond3A_251 {
        %dma_wait3A_370 = arith.constant 1 : i32
        %dma_wait3A_371 = arith.constant 0 : i32
        %dma_wait3A_372 = arith.constant 0 : i32
        %dma_wait3A_373 = arith.constant 0 : i32
        %dma_wait3A_374 = tpu.memref_slice %arg7[%dma_wait3A_370, %dma_wait3A_372, %dma_wait3A_373] : memref<2x32x128xf32, #tpu.memory_space<vmem>> -> memref<1x32x128xf32, #tpu.memory_space<vmem>>
        %dma_wait3A_375 = tpu.memref_squeeze %dma_wait3A_374 : memref<1x32x128xf32, #tpu.memory_space<vmem>> -> memref<32x128xf32, #tpu.memory_space<vmem>>
        %dma_wait3A_376 = arith.constant 0 : i32
        %dma_wait3A_377 = tpu.memref_slice %arg4[%dma_wait3A_371, %dma_wait3A_376, %mul3A_2] : memref<50x32x4096xf32, #tpu.memory_space<hbm>> -> memref<1x32x128xf32, #tpu.memory_space<hbm>>
        %dma_wait3A_378 = tpu.memref_squeeze %dma_wait3A_377 : memref<1x32x128xf32, #tpu.memory_space<hbm>> -> memref<32x128xf32, #tpu.memory_space<hbm>>
        %dma_wait3A_379 = arith.constant 0 : i32
        %dma_wait3A_380 = tpu.memref_slice %arg4[%dma_wait3A_371, %dma_wait3A_379, %mul3A_2] : memref<50x32x4096xf32, #tpu.memory_space<hbm>> -> memref<1x32x128xf32, #tpu.memory_space<hbm>>
        %dma_wait3A_381 = tpu.memref_squeeze %dma_wait3A_380 : memref<1x32x128xf32, #tpu.memory_space<hbm>> -> memref<32x128xf32, #tpu.memory_space<hbm>>
        %dma_wait3A_382 = arith.constant 0 : i32
        %dma_wait3A_383 = arith.constant 0 : i32
        %dma_wait3A_384 = tpu.memref_slice %arg7[%dma_wait3A_370, %dma_wait3A_382, %dma_wait3A_383] : memref<2x32x128xf32, #tpu.memory_space<vmem>> -> memref<1x32x128xf32, #tpu.memory_space<vmem>>
        %dma_wait3A_385 = tpu.memref_squeeze %dma_wait3A_384 : memref<1x32x128xf32, #tpu.memory_space<vmem>> -> memref<32x128xf32, #tpu.memory_space<vmem>>
        tpu.wait_dma2 semaphore(%arg13 : memref<!tpu.dma_semaphore, #tpu.memory_space<semaphore_mem>>) src(%dma_wait3A_385 : memref<32x128xf32, #tpu.memory_space<vmem>>) dst(%dma_wait3A_381 : memref<32x128xf32, #tpu.memory_space<hbm>>)
      } else {
      }
      %scan3A_252 = arith.constant 0 : i32
      %scan3A_253 = arith.constant 32 : i32
      %scan3A_254 = arith.addi %scan3A_252, %scan3A_253 : i32
      %scan3A_255 = arith.constant 1 : i32
      scf.for %scan3A_370 = %scan3A_252 to %scan3A_254 step %scan3A_255  : i32 {
        %mul3A_371 = arith.constant 0 : i32
        %mul3A_372 = vector.broadcast %mul3A_371 : i32 to vector<16xi32>
        %mul3A_373 = arith.muli %iota3A, %mul3A_372 : vector<16xi32>
        %add3A_374 = vector.broadcast %scan3A_370 : i32 to vector<16xi32>
        %add3A_375 = arith.addi %mul3A_373, %add3A_374 : vector<16xi32>
        %add3A_376 = arith.constant 0 : i32
        %add3A_377 = vector.broadcast %add3A_376 : i32 to vector<16xi32>
        %add3A_378 = arith.addi %iota3A, %add3A_377 : vector<16xi32>
        %gather3A = arith.constant 1 : i32
        %gather3A_379 = arith.constant 0 : i32
        %gather3A_380 = arith.constant 0 : i32
        %gather3A_381 = tpu.memref_slice %arg6[%gather3A, %gather3A_379, %gather3A_380] : memref<4x128x32xf32, #tpu.memory_space<vmem>> -> memref<1x128x32xf32, #tpu.memory_space<vmem>>
        %gather3A_382 = tpu.memref_squeeze %gather3A_381 : memref<1x128x32xf32, #tpu.memory_space<vmem>> -> memref<128x32xf32, #tpu.memory_space<vmem>>
        %gather3A_383 = tpu.vector_load_idx %gather3A_382[%add3A_378, %add3A_375] : memref<128x32xf32, #tpu.memory_space<vmem>>[vector<16xi32>, vector<16xi32>], vector<16xf32>,
        %swap3A = arith.constant 1 : i32
        %swap3A_384 = arith.index_cast %swap3A : i32 to index
        %swap3A_385 = arith.index_cast %scan3A_370 : i32 to index
        %swap3A_386 = arith.constant 0 : index
        %swap3A_387 = tpu.vector_load %arg7[%swap3A_384, %swap3A_385, %swap3A_386] {strides = array<i32>} : memref<2x32x128xf32, #tpu.memory_space<vmem>>, vector<16xf32>,
        tpu.vector_store %arg7[%swap3A_384, %swap3A_385, %swap3A_386], %gather3A_383 {strides = array<i32>} : memref<2x32x128xf32, #tpu.memory_space<vmem>>, vector<16xf32>,
        %add3A_388 = arith.constant 16 : i32
        %add3A_389 = vector.broadcast %add3A_388 : i32 to vector<16xi32>
        %add3A_390 = arith.addi %iota3A, %add3A_389 : vector<16xi32>
        %gather3A_391 = arith.constant 1 : i32
        %gather3A_392 = arith.constant 0 : i32
        %gather3A_393 = arith.constant 0 : i32
        %gather3A_394 = tpu.memref_slice %arg6[%gather3A_391, %gather3A_392, %gather3A_393] : memref<4x128x32xf32, #tpu.memory_space<vmem>> -> memref<1x128x32xf32, #tpu.memory_space<vmem>>
        %gather3A_395 = tpu.memref_squeeze %gather3A_394 : memref<1x128x32xf32, #tpu.memory_space<vmem>> -> memref<128x32xf32, #tpu.memory_space<vmem>>
        %gather3A_396 = tpu.vector_load_idx %gather3A_395[%add3A_390, %add3A_375] : memref<128x32xf32, #tpu.memory_space<vmem>>[vector<16xi32>, vector<16xi32>], vector<16xf32>,
        %swap3A_397 = arith.constant 1 : i32
        %swap3A_398 = arith.index_cast %swap3A_397 : i32 to index
        %swap3A_399 = arith.index_cast %scan3A_370 : i32 to index
        %swap3A_400 = arith.constant 16 : index
        %swap3A_401 = tpu.vector_load %arg7[%swap3A_398, %swap3A_399, %swap3A_400] {strides = array<i32>} : memref<2x32x128xf32, #tpu.memory_space<vmem>>, vector<16xf32>,
        tpu.vector_store %arg7[%swap3A_398, %swap3A_399, %swap3A_400], %gather3A_396 {strides = array<i32>} : memref<2x32x128xf32, #tpu.memory_space<vmem>>, vector<16xf32>,
        %add3A_402 = arith.constant 32 : i32
        %add3A_403 = vector.broadcast %add3A_402 : i32 to vector<16xi32>
        %add3A_404 = arith.addi %iota3A, %add3A_403 : vector<16xi32>
        %gather3A_405 = arith.constant 1 : i32
        %gather3A_406 = arith.constant 0 : i32
        %gather3A_407 = arith.constant 0 : i32
        %gather3A_408 = tpu.memref_slice %arg6[%gather3A_405, %gather3A_406, %gather3A_407] : memref<4x128x32xf32, #tpu.memory_space<vmem>> -> memref<1x128x32xf32, #tpu.memory_space<vmem>>
        %gather3A_409 = tpu.memref_squeeze %gather3A_408 : memref<1x128x32xf32, #tpu.memory_space<vmem>> -> memref<128x32xf32, #tpu.memory_space<vmem>>
        %gather3A_410 = tpu.vector_load_idx %gather3A_409[%add3A_404, %add3A_375] : memref<128x32xf32, #tpu.memory_space<vmem>>[vector<16xi32>, vector<16xi32>], vector<16xf32>,
        %swap3A_411 = arith.constant 1 : i32
        %swap3A_412 = arith.index_cast %swap3A_411 : i32 to index
        %swap3A_413 = arith.index_cast %scan3A_370 : i32 to index
        %swap3A_414 = arith.constant 32 : index
        %swap3A_415 = tpu.vector_load %arg7[%swap3A_412, %swap3A_413, %swap3A_414] {strides = array<i32>} : memref<2x32x128xf32, #tpu.memory_space<vmem>>, vector<16xf32>,
        tpu.vector_store %arg7[%swap3A_412, %swap3A_413, %swap3A_414], %gather3A_410 {strides = array<i32>} : memref<2x32x128xf32, #tpu.memory_space<vmem>>, vector<16xf32>,
        %add3A_416 = arith.constant 48 : i32
        %add3A_417 = vector.broadcast %add3A_416 : i32 to vector<16xi32>
        %add3A_418 = arith.addi %iota3A, %add3A_417 : vector<16xi32>
        %gather3A_419 = arith.constant 1 : i32
        %gather3A_420 = arith.constant 0 : i32
        %gather3A_421 = arith.constant 0 : i32
        %gather3A_422 = tpu.memref_slice %arg6[%gather3A_419, %gather3A_420, %gather3A_421] : memref<4x128x32xf32, #tpu.memory_space<vmem>> -> memref<1x128x32xf32, #tpu.memory_space<vmem>>
        %gather3A_423 = tpu.memref_squeeze %gather3A_422 : memref<1x128x32xf32, #tpu.memory_space<vmem>> -> memref<128x32xf32, #tpu.memory_space<vmem>>
        %gather3A_424 = tpu.vector_load_idx %gather3A_423[%add3A_418, %add3A_375] : memref<128x32xf32, #tpu.memory_space<vmem>>[vector<16xi32>, vector<16xi32>], vector<16xf32>,
        %swap3A_425 = arith.constant 1 : i32
        %swap3A_426 = arith.index_cast %swap3A_425 : i32 to index
        %swap3A_427 = arith.index_cast %scan3A_370 : i32 to index
        %swap3A_428 = arith.constant 48 : index
        %swap3A_429 = tpu.vector_load %arg7[%swap3A_426, %swap3A_427, %swap3A_428] {strides = array<i32>} : memref<2x32x128xf32, #tpu.memory_space<vmem>>, vector<16xf32>,
        tpu.vector_store %arg7[%swap3A_426, %swap3A_427, %swap3A_428], %gather3A_424 {strides = array<i32>} : memref<2x32x128xf32, #tpu.memory_space<vmem>>, vector<16xf32>,
        %add3A_430 = arith.constant 64 : i32
        %add3A_431 = vector.broadcast %add3A_430 : i32 to vector<16xi32>
        %add3A_432 = arith.addi %iota3A, %add3A_431 : vector<16xi32>
        %gather3A_433 = arith.constant 1 : i32
        %gather3A_434 = arith.constant 0 : i32
        %gather3A_435 = arith.constant 0 : i32
        %gather3A_436 = tpu.memref_slice %arg6[%gather3A_433, %gather3A_434, %gather3A_435] : memref<4x128x32xf32, #tpu.memory_space<vmem>> -> memref<1x128x32xf32, #tpu.memory_space<vmem>>
        %gather3A_437 = tpu.memref_squeeze %gather3A_436 : memref<1x128x32xf32, #tpu.memory_space<vmem>> -> memref<128x32xf32, #tpu.memory_space<vmem>>
        %gather3A_438 = tpu.vector_load_idx %gather3A_437[%add3A_432, %add3A_375] : memref<128x32xf32, #tpu.memory_space<vmem>>[vector<16xi32>, vector<16xi32>], vector<16xf32>,
        %swap3A_439 = arith.constant 1 : i32
        %swap3A_440 = arith.index_cast %swap3A_439 : i32 to index
        %swap3A_441 = arith.index_cast %scan3A_370 : i32 to index
        %swap3A_442 = arith.constant 64 : index
        %swap3A_443 = tpu.vector_load %arg7[%swap3A_440, %swap3A_441, %swap3A_442] {strides = array<i32>} : memref<2x32x128xf32, #tpu.memory_space<vmem>>, vector<16xf32>,
        tpu.vector_store %arg7[%swap3A_440, %swap3A_441, %swap3A_442], %gather3A_438 {strides = array<i32>} : memref<2x32x128xf32, #tpu.memory_space<vmem>>, vector<16xf32>,
        %add3A_444 = arith.constant 80 : i32
        %add3A_445 = vector.broadcast %add3A_444 : i32 to vector<16xi32>
        %add3A_446 = arith.addi %iota3A, %add3A_445 : vector<16xi32>
        %gather3A_447 = arith.constant 1 : i32
        %gather3A_448 = arith.constant 0 : i32
        %gather3A_449 = arith.constant 0 : i32
        %gather3A_450 = tpu.memref_slice %arg6[%gather3A_447, %gather3A_448, %gather3A_449] : memref<4x128x32xf32, #tpu.memory_space<vmem>> -> memref<1x128x32xf32, #tpu.memory_space<vmem>>
        %gather3A_451 = tpu.memref_squeeze %gather3A_450 : memref<1x128x32xf32, #tpu.memory_space<vmem>> -> memref<128x32xf32, #tpu.memory_space<vmem>>
        %gather3A_452 = tpu.vector_load_idx %gather3A_451[%add3A_446, %add3A_375] : memref<128x32xf32, #tpu.memory_space<vmem>>[vector<16xi32>, vector<16xi32>], vector<16xf32>,
        %swap3A_453 = arith.constant 1 : i32
        %swap3A_454 = arith.index_cast %swap3A_453 : i32 to index
        %swap3A_455 = arith.index_cast %scan3A_370 : i32 to index
        %swap3A_456 = arith.constant 80 : index
        %swap3A_457 = tpu.vector_load %arg7[%swap3A_454, %swap3A_455, %swap3A_456] {strides = array<i32>} : memref<2x32x128xf32, #tpu.memory_space<vmem>>, vector<16xf32>,
        tpu.vector_store %arg7[%swap3A_454, %swap3A_455, %swap3A_456], %gather3A_452 {strides = array<i32>} : memref<2x32x128xf32, #tpu.memory_space<vmem>>, vector<16xf32>,
        %add3A_458 = arith.constant 96 : i32
        %add3A_459 = vector.broadcast %add3A_458 : i32 to vector<16xi32>
        %add3A_460 = arith.addi %iota3A, %add3A_459 : vector<16xi32>
        %gather3A_461 = arith.constant 1 : i32
        %gather3A_462 = arith.constant 0 : i32
        %gather3A_463 = arith.constant 0 : i32
        %gather3A_464 = tpu.memref_slice %arg6[%gather3A_461, %gather3A_462, %gather3A_463] : memref<4x128x32xf32, #tpu.memory_space<vmem>> -> memref<1x128x32xf32, #tpu.memory_space<vmem>>
        %gather3A_465 = tpu.memref_squeeze %gather3A_464 : memref<1x128x32xf32, #tpu.memory_space<vmem>> -> memref<128x32xf32, #tpu.memory_space<vmem>>
        %gather3A_466 = tpu.vector_load_idx %gather3A_465[%add3A_460, %add3A_375] : memref<128x32xf32, #tpu.memory_space<vmem>>[vector<16xi32>, vector<16xi32>], vector<16xf32>,
        %swap3A_467 = arith.constant 1 : i32
        %swap3A_468 = arith.index_cast %swap3A_467 : i32 to index
        %swap3A_469 = arith.index_cast %scan3A_370 : i32 to index
        %swap3A_470 = arith.constant 96 : index
        %swap3A_471 = tpu.vector_load %arg7[%swap3A_468, %swap3A_469, %swap3A_470] {strides = array<i32>} : memref<2x32x128xf32, #tpu.memory_space<vmem>>, vector<16xf32>,
        tpu.vector_store %arg7[%swap3A_468, %swap3A_469, %swap3A_470], %gather3A_466 {strides = array<i32>} : memref<2x32x128xf32, #tpu.memory_space<vmem>>, vector<16xf32>,
        %add3A_472 = arith.constant 112 : i32
        %add3A_473 = vector.broadcast %add3A_472 : i32 to vector<16xi32>
        %add3A_474 = arith.addi %iota3A, %add3A_473 : vector<16xi32>
        %gather3A_475 = arith.constant 1 : i32
        %gather3A_476 = arith.constant 0 : i32
        %gather3A_477 = arith.constant 0 : i32
        %gather3A_478 = tpu.memref_slice %arg6[%gather3A_475, %gather3A_476, %gather3A_477] : memref<4x128x32xf32, #tpu.memory_space<vmem>> -> memref<1x128x32xf32, #tpu.memory_space<vmem>>
        %gather3A_479 = tpu.memref_squeeze %gather3A_478 : memref<1x128x32xf32, #tpu.memory_space<vmem>> -> memref<128x32xf32, #tpu.memory_space<vmem>>
        %gather3A_480 = tpu.vector_load_idx %gather3A_479[%add3A_474, %add3A_375] : memref<128x32xf32, #tpu.memory_space<vmem>>[vector<16xi32>, vector<16xi32>], vector<16xf32>,
        %swap3A_481 = arith.constant 1 : i32
        %swap3A_482 = arith.index_cast %swap3A_481 : i32 to index
        %swap3A_483 = arith.index_cast %scan3A_370 : i32 to index
        %swap3A_484 = arith.constant 112 : index
        %swap3A_485 = tpu.vector_load %arg7[%swap3A_482, %swap3A_483, %swap3A_484] {strides = array<i32>} : memref<2x32x128xf32, #tpu.memory_space<vmem>>, vector<16xf32>,
        tpu.vector_store %arg7[%swap3A_482, %swap3A_483, %swap3A_484], %gather3A_480 {strides = array<i32>} : memref<2x32x128xf32, #tpu.memory_space<vmem>>, vector<16xf32>,
      }
      %scan3A_256 = arith.constant 32 : i32
      %dma_start3A_257 = arith.constant 1 : i32
      %dma_start3A_258 = arith.constant 0 : i32
      %dma_start3A_259 = arith.constant 0 : i32
      %dma_start3A_260 = tpu.memref_slice %arg7[%dma_start3A_257, %dma_start3A_258, %dma_start3A_259] : memref<2x32x128xf32, #tpu.memory_space<vmem>> -> memref<1x32x128xf32, #tpu.memory_space<vmem>>
      %dma_start3A_261 = tpu.memref_squeeze %dma_start3A_260 : memref<1x32x128xf32, #tpu.memory_space<vmem>> -> memref<32x128xf32, #tpu.memory_space<vmem>>
      %dma_start3A_262 = arith.constant 0 : i32
      %dma_start3A_263 = tpu.memref_slice %arg4[%add3A_224, %dma_start3A_262, %mul3A_2] : memref<50x32x4096xf32, #tpu.memory_space<hbm>> -> memref<1x32x128xf32, #tpu.memory_space<hbm>>
      %dma_start3A_264 = tpu.memref_squeeze %dma_start3A_263 : memref<1x32x128xf32, #tpu.memory_space<hbm>> -> memref<32x128xf32, #tpu.memory_space<hbm>>
      %dma_start3A_265 = arith.constant 0 : i32
      %dma_start3A_266 = tpu.memref_slice %arg4[%add3A_224, %dma_start3A_265, %mul3A_2] : memref<50x32x4096xf32, #tpu.memory_space<hbm>> -> memref<1x32x128xf32, #tpu.memory_space<hbm>>
      %dma_start3A_267 = tpu.memref_squeeze %dma_start3A_266 : memref<1x32x128xf32, #tpu.memory_space<hbm>> -> memref<32x128xf32, #tpu.memory_space<hbm>>
      %dma_start3A_268 = arith.constant 0 : i32
      %dma_start3A_269 = arith.constant 0 : i32
      %dma_start3A_270 = tpu.memref_slice %arg7[%dma_start3A_257, %dma_start3A_268, %dma_start3A_269] : memref<2x32x128xf32, #tpu.memory_space<vmem>> -> memref<1x32x128xf32, #tpu.memory_space<vmem>>
      %dma_start3A_271 = tpu.memref_squeeze %dma_start3A_270 : memref<1x32x128xf32, #tpu.memory_space<vmem>> -> memref<32x128xf32, #tpu.memory_space<vmem>>
      tpu.enqueue_dma source(%dma_start3A_271 : memref<32x128xf32, #tpu.memory_space<vmem>>) target(%dma_start3A_267 : memref<32x128xf32, #tpu.memory_space<hbm>>) target_semaphore(%arg13 : memref<!tpu.dma_semaphore, #tpu.memory_space<semaphore_mem>>)
      %add3A_272 = arith.constant 2 : i32
      %add3A_273 = arith.addi %mul3A_179, %add3A_272 : i32
      %add3A_274 = arith.constant 3 : i32
      %add3A_275 = arith.addi %add3A_273, %add3A_274 : i32
      %lt3A_276 = arith.constant 50 : i32
      %lt3A_277 = arith.cmpi slt, %add3A_275, %lt3A_276 : i32
      %convert_element_type3A_278 = arith.extui %lt3A_277 : i1 to i32
      %cond3A_279 = arith.constant 0 : i32
      %cond3A_280 = arith.cmpi ne, %convert_element_type3A_278, %cond3A_279 : i32
      scf.if %cond3A_280 {
        %add3A_370 = arith.constant 3 : i32
        %add3A_371 = arith.addi %add3A_273, %add3A_370 : i32
        %dma_start3A_372 = arith.constant 1 : i32
        %dma_start3A_373 = arith.constant 0 : i32
        %dma_start3A_374 = arith.constant 0 : i32
        %dma_start3A_375 = tpu.memref_slice %arg6[%dma_start3A_372, %dma_start3A_373, %dma_start3A_374] : memref<4x128x32xf32, #tpu.memory_space<vmem>> -> memref<1x128x32xf32, #tpu.memory_space<vmem>>
        %dma_start3A_376 = tpu.memref_squeeze %dma_start3A_375 : memref<1x128x32xf32, #tpu.memory_space<vmem>> -> memref<128x32xf32, #tpu.memory_space<vmem>>
        %dma_start3A_377 = arith.constant 0 : i32
        %dma_start3A_378 = tpu.memref_slice %arg5[%add3A_371, %dma_start3A_377] : memref<50x128xi32, #tpu.memory_space<vmem>> -> memref<1x128xi32, #tpu.memory_space<vmem>>
        %dma_start3A_379 = tpu.memref_squeeze %dma_start3A_378 : memref<1x128xi32, #tpu.memory_space<vmem>> -> memref<128xi32, #tpu.memory_space<vmem>>
        %dma_start3A_380 = arith.constant 0 : i32
        %dma_start3A_381 = arith.constant 0 : i32
        %dma_start3A_382 = tpu.memref_slice %arg3[%dma_start3A_380, %dma_start3A_381] : memref<1000000x32xf32, #tpu.memory_space<hbm>> -> memref<1000000x32xf32, #tpu.memory_space<hbm>>
        tpu.enqueue_indirect_dma source(%dma_start3A_382 : memref<1000000x32xf32, #tpu.memory_space<hbm>>) target(%dma_start3A_376 : memref<128x32xf32, #tpu.memory_space<vmem>>) offsets(%dma_start3A_379 : memref<128xi32, #tpu.memory_space<vmem>>) semaphore(%arg9 : memref<!tpu.dma_semaphore, #tpu.memory_space<semaphore_mem>>)
      } else {
      }
      %dma_wait3A_281 = arith.constant 2 : i32
      %dma_wait3A_282 = arith.constant 0 : i32
      %dma_wait3A_283 = arith.constant 0 : i32
      %dma_wait3A_284 = tpu.memref_slice %arg6[%dma_wait3A_281, %dma_wait3A_282, %dma_wait3A_283] : memref<4x128x32xf32, #tpu.memory_space<vmem>> -> memref<1x128x32xf32, #tpu.memory_space<vmem>>
      %dma_wait3A_285 = tpu.memref_squeeze %dma_wait3A_284 : memref<1x128x32xf32, #tpu.memory_space<vmem>> -> memref<128x32xf32, #tpu.memory_space<vmem>>
      %dma_wait3A_286 = arith.constant 0 : i32
      %dma_wait3A_287 = arith.constant 0 : i32
      %dma_wait3A_288 = tpu.memref_slice %arg3[%dma_wait3A_286, %dma_wait3A_287] : memref<1000000x32xf32, #tpu.memory_space<hbm>> -> memref<128x32xf32, #tpu.memory_space<hbm>>
      %dma_wait3A_289 = arith.constant 0 : i32
      %dma_wait3A_290 = arith.constant 0 : i32
      %dma_wait3A_291 = tpu.memref_slice %arg6[%dma_wait3A_281, %dma_wait3A_289, %dma_wait3A_290] : memref<4x128x32xf32, #tpu.memory_space<vmem>> -> memref<1x128x32xf32, #tpu.memory_space<vmem>>
      %dma_wait3A_292 = tpu.memref_squeeze %dma_wait3A_291 : memref<1x128x32xf32, #tpu.memory_space<vmem>> -> memref<128x32xf32, #tpu.memory_space<vmem>>
      %dma_wait3A_293 = arith.constant 0 : i32
      %dma_wait3A_294 = arith.constant 0 : i32
      %dma_wait3A_295 = tpu.memref_slice %arg3[%dma_wait3A_293, %dma_wait3A_294] : memref<1000000x32xf32, #tpu.memory_space<hbm>> -> memref<128x32xf32, #tpu.memory_space<hbm>>
      tpu.wait_dma2 semaphore(%arg10 : memref<!tpu.dma_semaphore, #tpu.memory_space<semaphore_mem>>) src(%dma_wait3A_295 : memref<128x32xf32, #tpu.memory_space<hbm>>) dst(%dma_wait3A_292 : memref<128x32xf32, #tpu.memory_space<vmem>>)
      %ge3A_296 = arith.constant 2 : i32
      %ge3A_297 = arith.cmpi sge, %add3A_273, %ge3A_296 : i32
      %convert_element_type3A_298 = arith.extui %ge3A_297 : i1 to i32
      %cond3A_299 = arith.constant 0 : i32
      %cond3A_300 = arith.cmpi ne, %convert_element_type3A_298, %cond3A_299 : i32
      scf.if %cond3A_300 {
        %dma_wait3A_370 = arith.constant 0 : i32
        %dma_wait3A_371 = arith.constant 0 : i32
        %dma_wait3A_372 = arith.constant 0 : i32
        %dma_wait3A_373 = arith.constant 0 : i32
        %dma_wait3A_374 = tpu.memref_slice %arg7[%dma_wait3A_370, %dma_wait3A_372, %dma_wait3A_373] : memref<2x32x128xf32, #tpu.memory_space<vmem>> -> memref<1x32x128xf32, #tpu.memory_space<vmem>>
        %dma_wait3A_375 = tpu.memref_squeeze %dma_wait3A_374 : memref<1x32x128xf32, #tpu.memory_space<vmem>> -> memref<32x128xf32, #tpu.memory_space<vmem>>
        %dma_wait3A_376 = arith.constant 0 : i32
        %dma_wait3A_377 = tpu.memref_slice %arg4[%dma_wait3A_371, %dma_wait3A_376, %mul3A_2] : memref<50x32x4096xf32, #tpu.memory_space<hbm>> -> memref<1x32x128xf32, #tpu.memory_space<hbm>>
        %dma_wait3A_378 = tpu.memref_squeeze %dma_wait3A_377 : memref<1x32x128xf32, #tpu.memory_space<hbm>> -> memref<32x128xf32, #tpu.memory_space<hbm>>
        %dma_wait3A_379 = arith.constant 0 : i32
        %dma_wait3A_380 = tpu.memref_slice %arg4[%dma_wait3A_371, %dma_wait3A_379, %mul3A_2] : memref<50x32x4096xf32, #tpu.memory_space<hbm>> -> memref<1x32x128xf32, #tpu.memory_space<hbm>>
        %dma_wait3A_381 = tpu.memref_squeeze %dma_wait3A_380 : memref<1x32x128xf32, #tpu.memory_space<hbm>> -> memref<32x128xf32, #tpu.memory_space<hbm>>
        %dma_wait3A_382 = arith.constant 0 : i32
        %dma_wait3A_383 = arith.constant 0 : i32
        %dma_wait3A_384 = tpu.memref_slice %arg7[%dma_wait3A_370, %dma_wait3A_382, %dma_wait3A_383] : memref<2x32x128xf32, #tpu.memory_space<vmem>> -> memref<1x32x128xf32, #tpu.memory_space<vmem>>
        %dma_wait3A_385 = tpu.memref_squeeze %dma_wait3A_384 : memref<1x32x128xf32, #tpu.memory_space<vmem>> -> memref<32x128xf32, #tpu.memory_space<vmem>>
        tpu.wait_dma2 semaphore(%arg12 : memref<!tpu.dma_semaphore, #tpu.memory_space<semaphore_mem>>) src(%dma_wait3A_385 : memref<32x128xf32, #tpu.memory_space<vmem>>) dst(%dma_wait3A_381 : memref<32x128xf32, #tpu.memory_space<hbm>>)
      } else {
      }
      %scan3A_301 = arith.constant 0 : i32
      %scan3A_302 = arith.constant 32 : i32
      %scan3A_303 = arith.addi %scan3A_301, %scan3A_302 : i32
      %scan3A_304 = arith.constant 1 : i32
      scf.for %scan3A_370 = %scan3A_301 to %scan3A_303 step %scan3A_304  : i32 {
        %mul3A_371 = arith.constant 0 : i32
        %mul3A_372 = vector.broadcast %mul3A_371 : i32 to vector<16xi32>
        %mul3A_373 = arith.muli %iota3A, %mul3A_372 : vector<16xi32>
        %add3A_374 = vector.broadcast %scan3A_370 : i32 to vector<16xi32>
        %add3A_375 = arith.addi %mul3A_373, %add3A_374 : vector<16xi32>
        %add3A_376 = arith.constant 0 : i32
        %add3A_377 = vector.broadcast %add3A_376 : i32 to vector<16xi32>
        %add3A_378 = arith.addi %iota3A, %add3A_377 : vector<16xi32>
        %gather3A = arith.constant 2 : i32
        %gather3A_379 = arith.constant 0 : i32
        %gather3A_380 = arith.constant 0 : i32
        %gather3A_381 = tpu.memref_slice %arg6[%gather3A, %gather3A_379, %gather3A_380] : memref<4x128x32xf32, #tpu.memory_space<vmem>> -> memref<1x128x32xf32, #tpu.memory_space<vmem>>
        %gather3A_382 = tpu.memref_squeeze %gather3A_381 : memref<1x128x32xf32, #tpu.memory_space<vmem>> -> memref<128x32xf32, #tpu.memory_space<vmem>>
        %gather3A_383 = tpu.vector_load_idx %gather3A_382[%add3A_378, %add3A_375] : memref<128x32xf32, #tpu.memory_space<vmem>>[vector<16xi32>, vector<16xi32>], vector<16xf32>,
        %swap3A = arith.constant 0 : i32
        %swap3A_384 = arith.index_cast %swap3A : i32 to index
        %swap3A_385 = arith.index_cast %scan3A_370 : i32 to index
        %swap3A_386 = arith.constant 0 : index
        %swap3A_387 = tpu.vector_load %arg7[%swap3A_384, %swap3A_385, %swap3A_386] {strides = array<i32>} : memref<2x32x128xf32, #tpu.memory_space<vmem>>, vector<16xf32>,
        tpu.vector_store %arg7[%swap3A_384, %swap3A_385, %swap3A_386], %gather3A_383 {strides = array<i32>} : memref<2x32x128xf32, #tpu.memory_space<vmem>>, vector<16xf32>,
        %add3A_388 = arith.constant 16 : i32
        %add3A_389 = vector.broadcast %add3A_388 : i32 to vector<16xi32>
        %add3A_390 = arith.addi %iota3A, %add3A_389 : vector<16xi32>
        %gather3A_391 = arith.constant 2 : i32
        %gather3A_392 = arith.constant 0 : i32
        %gather3A_393 = arith.constant 0 : i32
        %gather3A_394 = tpu.memref_slice %arg6[%gather3A_391, %gather3A_392, %gather3A_393] : memref<4x128x32xf32, #tpu.memory_space<vmem>> -> memref<1x128x32xf32, #tpu.memory_space<vmem>>
        %gather3A_395 = tpu.memref_squeeze %gather3A_394 : memref<1x128x32xf32, #tpu.memory_space<vmem>> -> memref<128x32xf32, #tpu.memory_space<vmem>>
        %gather3A_396 = tpu.vector_load_idx %gather3A_395[%add3A_390, %add3A_375] : memref<128x32xf32, #tpu.memory_space<vmem>>[vector<16xi32>, vector<16xi32>], vector<16xf32>,
        %swap3A_397 = arith.constant 0 : i32
        %swap3A_398 = arith.index_cast %swap3A_397 : i32 to index
        %swap3A_399 = arith.index_cast %scan3A_370 : i32 to index
        %swap3A_400 = arith.constant 16 : index
        %swap3A_401 = tpu.vector_load %arg7[%swap3A_398, %swap3A_399, %swap3A_400] {strides = array<i32>} : memref<2x32x128xf32, #tpu.memory_space<vmem>>, vector<16xf32>,
        tpu.vector_store %arg7[%swap3A_398, %swap3A_399, %swap3A_400], %gather3A_396 {strides = array<i32>} : memref<2x32x128xf32, #tpu.memory_space<vmem>>, vector<16xf32>,
        %add3A_402 = arith.constant 32 : i32
        %add3A_403 = vector.broadcast %add3A_402 : i32 to vector<16xi32>
        %add3A_404 = arith.addi %iota3A, %add3A_403 : vector<16xi32>
        %gather3A_405 = arith.constant 2 : i32
        %gather3A_406 = arith.constant 0 : i32
        %gather3A_407 = arith.constant 0 : i32
        %gather3A_408 = tpu.memref_slice %arg6[%gather3A_405, %gather3A_406, %gather3A_407] : memref<4x128x32xf32, #tpu.memory_space<vmem>> -> memref<1x128x32xf32, #tpu.memory_space<vmem>>
        %gather3A_409 = tpu.memref_squeeze %gather3A_408 : memref<1x128x32xf32, #tpu.memory_space<vmem>> -> memref<128x32xf32, #tpu.memory_space<vmem>>
        %gather3A_410 = tpu.vector_load_idx %gather3A_409[%add3A_404, %add3A_375] : memref<128x32xf32, #tpu.memory_space<vmem>>[vector<16xi32>, vector<16xi32>], vector<16xf32>,
        %swap3A_411 = arith.constant 0 : i32
        %swap3A_412 = arith.index_cast %swap3A_411 : i32 to index
        %swap3A_413 = arith.index_cast %scan3A_370 : i32 to index
        %swap3A_414 = arith.constant 32 : index
        %swap3A_415 = tpu.vector_load %arg7[%swap3A_412, %swap3A_413, %swap3A_414] {strides = array<i32>} : memref<2x32x128xf32, #tpu.memory_space<vmem>>, vector<16xf32>,
        tpu.vector_store %arg7[%swap3A_412, %swap3A_413, %swap3A_414], %gather3A_410 {strides = array<i32>} : memref<2x32x128xf32, #tpu.memory_space<vmem>>, vector<16xf32>,
        %add3A_416 = arith.constant 48 : i32
        %add3A_417 = vector.broadcast %add3A_416 : i32 to vector<16xi32>
        %add3A_418 = arith.addi %iota3A, %add3A_417 : vector<16xi32>
        %gather3A_419 = arith.constant 2 : i32
        %gather3A_420 = arith.constant 0 : i32
        %gather3A_421 = arith.constant 0 : i32
        %gather3A_422 = tpu.memref_slice %arg6[%gather3A_419, %gather3A_420, %gather3A_421] : memref<4x128x32xf32, #tpu.memory_space<vmem>> -> memref<1x128x32xf32, #tpu.memory_space<vmem>>
        %gather3A_423 = tpu.memref_squeeze %gather3A_422 : memref<1x128x32xf32, #tpu.memory_space<vmem>> -> memref<128x32xf32, #tpu.memory_space<vmem>>
        %gather3A_424 = tpu.vector_load_idx %gather3A_423[%add3A_418, %add3A_375] : memref<128x32xf32, #tpu.memory_space<vmem>>[vector<16xi32>, vector<16xi32>], vector<16xf32>,
        %swap3A_425 = arith.constant 0 : i32
        %swap3A_426 = arith.index_cast %swap3A_425 : i32 to index
        %swap3A_427 = arith.index_cast %scan3A_370 : i32 to index
        %swap3A_428 = arith.constant 48 : index
        %swap3A_429 = tpu.vector_load %arg7[%swap3A_426, %swap3A_427, %swap3A_428] {strides = array<i32>} : memref<2x32x128xf32, #tpu.memory_space<vmem>>, vector<16xf32>,
        tpu.vector_store %arg7[%swap3A_426, %swap3A_427, %swap3A_428], %gather3A_424 {strides = array<i32>} : memref<2x32x128xf32, #tpu.memory_space<vmem>>, vector<16xf32>,
        %add3A_430 = arith.constant 64 : i32
        %add3A_431 = vector.broadcast %add3A_430 : i32 to vector<16xi32>
        %add3A_432 = arith.addi %iota3A, %add3A_431 : vector<16xi32>
        %gather3A_433 = arith.constant 2 : i32
        %gather3A_434 = arith.constant 0 : i32
        %gather3A_435 = arith.constant 0 : i32
        %gather3A_436 = tpu.memref_slice %arg6[%gather3A_433, %gather3A_434, %gather3A_435] : memref<4x128x32xf32, #tpu.memory_space<vmem>> -> memref<1x128x32xf32, #tpu.memory_space<vmem>>
        %gather3A_437 = tpu.memref_squeeze %gather3A_436 : memref<1x128x32xf32, #tpu.memory_space<vmem>> -> memref<128x32xf32, #tpu.memory_space<vmem>>
        %gather3A_438 = tpu.vector_load_idx %gather3A_437[%add3A_432, %add3A_375] : memref<128x32xf32, #tpu.memory_space<vmem>>[vector<16xi32>, vector<16xi32>], vector<16xf32>,
        %swap3A_439 = arith.constant 0 : i32
        %swap3A_440 = arith.index_cast %swap3A_439 : i32 to index
        %swap3A_441 = arith.index_cast %scan3A_370 : i32 to index
        %swap3A_442 = arith.constant 64 : index
        %swap3A_443 = tpu.vector_load %arg7[%swap3A_440, %swap3A_441, %swap3A_442] {strides = array<i32>} : memref<2x32x128xf32, #tpu.memory_space<vmem>>, vector<16xf32>,
        tpu.vector_store %arg7[%swap3A_440, %swap3A_441, %swap3A_442], %gather3A_438 {strides = array<i32>} : memref<2x32x128xf32, #tpu.memory_space<vmem>>, vector<16xf32>,
        %add3A_444 = arith.constant 80 : i32
        %add3A_445 = vector.broadcast %add3A_444 : i32 to vector<16xi32>
        %add3A_446 = arith.addi %iota3A, %add3A_445 : vector<16xi32>
        %gather3A_447 = arith.constant 2 : i32
        %gather3A_448 = arith.constant 0 : i32
        %gather3A_449 = arith.constant 0 : i32
        %gather3A_450 = tpu.memref_slice %arg6[%gather3A_447, %gather3A_448, %gather3A_449] : memref<4x128x32xf32, #tpu.memory_space<vmem>> -> memref<1x128x32xf32, #tpu.memory_space<vmem>>
        %gather3A_451 = tpu.memref_squeeze %gather3A_450 : memref<1x128x32xf32, #tpu.memory_space<vmem>> -> memref<128x32xf32, #tpu.memory_space<vmem>>
        %gather3A_452 = tpu.vector_load_idx %gather3A_451[%add3A_446, %add3A_375] : memref<128x32xf32, #tpu.memory_space<vmem>>[vector<16xi32>, vector<16xi32>], vector<16xf32>,
        %swap3A_453 = arith.constant 0 : i32
        %swap3A_454 = arith.index_cast %swap3A_453 : i32 to index
        %swap3A_455 = arith.index_cast %scan3A_370 : i32 to index
        %swap3A_456 = arith.constant 80 : index
        %swap3A_457 = tpu.vector_load %arg7[%swap3A_454, %swap3A_455, %swap3A_456] {strides = array<i32>} : memref<2x32x128xf32, #tpu.memory_space<vmem>>, vector<16xf32>,
        tpu.vector_store %arg7[%swap3A_454, %swap3A_455, %swap3A_456], %gather3A_452 {strides = array<i32>} : memref<2x32x128xf32, #tpu.memory_space<vmem>>, vector<16xf32>,
        %add3A_458 = arith.constant 96 : i32
        %add3A_459 = vector.broadcast %add3A_458 : i32 to vector<16xi32>
        %add3A_460 = arith.addi %iota3A, %add3A_459 : vector<16xi32>
        %gather3A_461 = arith.constant 2 : i32
        %gather3A_462 = arith.constant 0 : i32
        %gather3A_463 = arith.constant 0 : i32
        %gather3A_464 = tpu.memref_slice %arg6[%gather3A_461, %gather3A_462, %gather3A_463] : memref<4x128x32xf32, #tpu.memory_space<vmem>> -> memref<1x128x32xf32, #tpu.memory_space<vmem>>
        %gather3A_465 = tpu.memref_squeeze %gather3A_464 : memref<1x128x32xf32, #tpu.memory_space<vmem>> -> memref<128x32xf32, #tpu.memory_space<vmem>>
        %gather3A_466 = tpu.vector_load_idx %gather3A_465[%add3A_460, %add3A_375] : memref<128x32xf32, #tpu.memory_space<vmem>>[vector<16xi32>, vector<16xi32>], vector<16xf32>,
        %swap3A_467 = arith.constant 0 : i32
        %swap3A_468 = arith.index_cast %swap3A_467 : i32 to index
        %swap3A_469 = arith.index_cast %scan3A_370 : i32 to index
        %swap3A_470 = arith.constant 96 : index
        %swap3A_471 = tpu.vector_load %arg7[%swap3A_468, %swap3A_469, %swap3A_470] {strides = array<i32>} : memref<2x32x128xf32, #tpu.memory_space<vmem>>, vector<16xf32>,
        tpu.vector_store %arg7[%swap3A_468, %swap3A_469, %swap3A_470], %gather3A_466 {strides = array<i32>} : memref<2x32x128xf32, #tpu.memory_space<vmem>>, vector<16xf32>,
        %add3A_472 = arith.constant 112 : i32
        %add3A_473 = vector.broadcast %add3A_472 : i32 to vector<16xi32>
        %add3A_474 = arith.addi %iota3A, %add3A_473 : vector<16xi32>
        %gather3A_475 = arith.constant 2 : i32
        %gather3A_476 = arith.constant 0 : i32
        %gather3A_477 = arith.constant 0 : i32
        %gather3A_478 = tpu.memref_slice %arg6[%gather3A_475, %gather3A_476, %gather3A_477] : memref<4x128x32xf32, #tpu.memory_space<vmem>> -> memref<1x128x32xf32, #tpu.memory_space<vmem>>
        %gather3A_479 = tpu.memref_squeeze %gather3A_478 : memref<1x128x32xf32, #tpu.memory_space<vmem>> -> memref<128x32xf32, #tpu.memory_space<vmem>>
        %gather3A_480 = tpu.vector_load_idx %gather3A_479[%add3A_474, %add3A_375] : memref<128x32xf32, #tpu.memory_space<vmem>>[vector<16xi32>, vector<16xi32>], vector<16xf32>,
        %swap3A_481 = arith.constant 0 : i32
        %swap3A_482 = arith.index_cast %swap3A_481 : i32 to index
        %swap3A_483 = arith.index_cast %scan3A_370 : i32 to index
        %swap3A_484 = arith.constant 112 : index
        %swap3A_485 = tpu.vector_load %arg7[%swap3A_482, %swap3A_483, %swap3A_484] {strides = array<i32>} : memref<2x32x128xf32, #tpu.memory_space<vmem>>, vector<16xf32>,
        tpu.vector_store %arg7[%swap3A_482, %swap3A_483, %swap3A_484], %gather3A_480 {strides = array<i32>} : memref<2x32x128xf32, #tpu.memory_space<vmem>>, vector<16xf32>,
      }
      %scan3A_305 = arith.constant 32 : i32
      %dma_start3A_306 = arith.constant 0 : i32
      %dma_start3A_307 = arith.constant 0 : i32
      %dma_start3A_308 = arith.constant 0 : i32
      %dma_start3A_309 = tpu.memref_slice %arg7[%dma_start3A_306, %dma_start3A_307, %dma_start3A_308] : memref<2x32x128xf32, #tpu.memory_space<vmem>> -> memref<1x32x128xf32, #tpu.memory_space<vmem>>
      %dma_start3A_310 = tpu.memref_squeeze %dma_start3A_309 : memref<1x32x128xf32, #tpu.memory_space<vmem>> -> memref<32x128xf32, #tpu.memory_space<vmem>>
      %dma_start3A_311 = arith.constant 0 : i32
      %dma_start3A_312 = tpu.memref_slice %arg4[%add3A_273, %dma_start3A_311, %mul3A_2] : memref<50x32x4096xf32, #tpu.memory_space<hbm>> -> memref<1x32x128xf32, #tpu.memory_space<hbm>>
      %dma_start3A_313 = tpu.memref_squeeze %dma_start3A_312 : memref<1x32x128xf32, #tpu.memory_space<hbm>> -> memref<32x128xf32, #tpu.memory_space<hbm>>
      %dma_start3A_314 = arith.constant 0 : i32
      %dma_start3A_315 = tpu.memref_slice %arg4[%add3A_273, %dma_start3A_314, %mul3A_2] : memref<50x32x4096xf32, #tpu.memory_space<hbm>> -> memref<1x32x128xf32, #tpu.memory_space<hbm>>
      %dma_start3A_316 = tpu.memref_squeeze %dma_start3A_315 : memref<1x32x128xf32, #tpu.memory_space<hbm>> -> memref<32x128xf32, #tpu.memory_space<hbm>>
      %dma_start3A_317 = arith.constant 0 : i32
      %dma_start3A_318 = arith.constant 0 : i32
      %dma_start3A_319 = tpu.memref_slice %arg7[%dma_start3A_306, %dma_start3A_317, %dma_start3A_318] : memref<2x32x128xf32, #tpu.memory_space<vmem>> -> memref<1x32x128xf32, #tpu.memory_space<vmem>>
      %dma_start3A_320 = tpu.memref_squeeze %dma_start3A_319 : memref<1x32x128xf32, #tpu.memory_space<vmem>> -> memref<32x128xf32, #tpu.memory_space<vmem>>
      tpu.enqueue_dma source(%dma_start3A_320 : memref<32x128xf32, #tpu.memory_space<vmem>>) target(%dma_start3A_316 : memref<32x128xf32, #tpu.memory_space<hbm>>) target_semaphore(%arg12 : memref<!tpu.dma_semaphore, #tpu.memory_space<semaphore_mem>>)
      %add3A_321 = arith.constant 3 : i32
      %add3A_322 = arith.addi %mul3A_179, %add3A_321 : i32
      %add3A_323 = arith.constant 3 : i32
      %add3A_324 = arith.addi %add3A_322, %add3A_323 : i32
      %lt3A_325 = arith.constant 50 : i32
      %lt3A_326 = arith.cmpi slt, %add3A_324, %lt3A_325 : i32
      %convert_element_type3A_327 = arith.extui %lt3A_326 : i1 to i32
      %cond3A_328 = arith.constant 0 : i32
      %cond3A_329 = arith.cmpi ne, %convert_element_type3A_327, %cond3A_328 : i32
      scf.if %cond3A_329 {
        %add3A_370 = arith.constant 3 : i32
        %add3A_371 = arith.addi %add3A_322, %add3A_370 : i32
        %dma_start3A_372 = arith.constant 2 : i32
        %dma_start3A_373 = arith.constant 0 : i32
        %dma_start3A_374 = arith.constant 0 : i32
        %dma_start3A_375 = tpu.memref_slice %arg6[%dma_start3A_372, %dma_start3A_373, %dma_start3A_374] : memref<4x128x32xf32, #tpu.memory_space<vmem>> -> memref<1x128x32xf32, #tpu.memory_space<vmem>>
        %dma_start3A_376 = tpu.memref_squeeze %dma_start3A_375 : memref<1x128x32xf32, #tpu.memory_space<vmem>> -> memref<128x32xf32, #tpu.memory_space<vmem>>
        %dma_start3A_377 = arith.constant 0 : i32
        %dma_start3A_378 = tpu.memref_slice %arg5[%add3A_371, %dma_start3A_377] : memref<50x128xi32, #tpu.memory_space<vmem>> -> memref<1x128xi32, #tpu.memory_space<vmem>>
        %dma_start3A_379 = tpu.memref_squeeze %dma_start3A_378 : memref<1x128xi32, #tpu.memory_space<vmem>> -> memref<128xi32, #tpu.memory_space<vmem>>
        %dma_start3A_380 = arith.constant 0 : i32
        %dma_start3A_381 = arith.constant 0 : i32
        %dma_start3A_382 = tpu.memref_slice %arg3[%dma_start3A_380, %dma_start3A_381] : memref<1000000x32xf32, #tpu.memory_space<hbm>> -> memref<1000000x32xf32, #tpu.memory_space<hbm>>
        tpu.enqueue_indirect_dma source(%dma_start3A_382 : memref<1000000x32xf32, #tpu.memory_space<hbm>>) target(%dma_start3A_376 : memref<128x32xf32, #tpu.memory_space<vmem>>) offsets(%dma_start3A_379 : memref<128xi32, #tpu.memory_space<vmem>>) semaphore(%arg10 : memref<!tpu.dma_semaphore, #tpu.memory_space<semaphore_mem>>)
      } else {
      }
      %dma_wait3A_330 = arith.constant 3 : i32
      %dma_wait3A_331 = arith.constant 0 : i32
      %dma_wait3A_332 = arith.constant 0 : i32
      %dma_wait3A_333 = tpu.memref_slice %arg6[%dma_wait3A_330, %dma_wait3A_331, %dma_wait3A_332] : memref<4x128x32xf32, #tpu.memory_space<vmem>> -> memref<1x128x32xf32, #tpu.memory_space<vmem>>
      %dma_wait3A_334 = tpu.memref_squeeze %dma_wait3A_333 : memref<1x128x32xf32, #tpu.memory_space<vmem>> -> memref<128x32xf32, #tpu.memory_space<vmem>>
      %dma_wait3A_335 = arith.constant 0 : i32
      %dma_wait3A_336 = arith.constant 0 : i32
      %dma_wait3A_337 = tpu.memref_slice %arg3[%dma_wait3A_335, %dma_wait3A_336] : memref<1000000x32xf32, #tpu.memory_space<hbm>> -> memref<128x32xf32, #tpu.memory_space<hbm>>
      %dma_wait3A_338 = arith.constant 0 : i32
      %dma_wait3A_339 = arith.constant 0 : i32
      %dma_wait3A_340 = tpu.memref_slice %arg6[%dma_wait3A_330, %dma_wait3A_338, %dma_wait3A_339] : memref<4x128x32xf32, #tpu.memory_space<vmem>> -> memref<1x128x32xf32, #tpu.memory_space<vmem>>
      %dma_wait3A_341 = tpu.memref_squeeze %dma_wait3A_340 : memref<1x128x32xf32, #tpu.memory_space<vmem>> -> memref<128x32xf32, #tpu.memory_space<vmem>>
      %dma_wait3A_342 = arith.constant 0 : i32
      %dma_wait3A_343 = arith.constant 0 : i32
      %dma_wait3A_344 = tpu.memref_slice %arg3[%dma_wait3A_342, %dma_wait3A_343] : memref<1000000x32xf32, #tpu.memory_space<hbm>> -> memref<128x32xf32, #tpu.memory_space<hbm>>
      tpu.wait_dma2 semaphore(%arg11 : memref<!tpu.dma_semaphore, #tpu.memory_space<semaphore_mem>>) src(%dma_wait3A_344 : memref<128x32xf32, #tpu.memory_space<hbm>>) dst(%dma_wait3A_341 : memref<128x32xf32, #tpu.memory_space<vmem>>)
      %ge3A_345 = arith.constant 2 : i32
      %ge3A_346 = arith.cmpi sge, %add3A_322, %ge3A_345 : i32
      %convert_element_type3A_347 = arith.extui %ge3A_346 : i1 to i32
      %cond3A_348 = arith.constant 0 : i32
      %cond3A_349 = arith.cmpi ne, %convert_element_type3A_347, %cond3A_348 : i32
      scf.if %cond3A_349 {
        %dma_wait3A_370 = arith.constant 1 : i32
        %dma_wait3A_371 = arith.constant 0 : i32
        %dma_wait3A_372 = arith.constant 0 : i32
        %dma_wait3A_373 = arith.constant 0 : i32
        %dma_wait3A_374 = tpu.memref_slice %arg7[%dma_wait3A_370, %dma_wait3A_372, %dma_wait3A_373] : memref<2x32x128xf32, #tpu.memory_space<vmem>> -> memref<1x32x128xf32, #tpu.memory_space<vmem>>
        %dma_wait3A_375 = tpu.memref_squeeze %dma_wait3A_374 : memref<1x32x128xf32, #tpu.memory_space<vmem>> -> memref<32x128xf32, #tpu.memory_space<vmem>>
        %dma_wait3A_376 = arith.constant 0 : i32
        %dma_wait3A_377 = tpu.memref_slice %arg4[%dma_wait3A_371, %dma_wait3A_376, %mul3A_2] : memref<50x32x4096xf32, #tpu.memory_space<hbm>> -> memref<1x32x128xf32, #tpu.memory_space<hbm>>
        %dma_wait3A_378 = tpu.memref_squeeze %dma_wait3A_377 : memref<1x32x128xf32, #tpu.memory_space<hbm>> -> memref<32x128xf32, #tpu.memory_space<hbm>>
        %dma_wait3A_379 = arith.constant 0 : i32
        %dma_wait3A_380 = tpu.memref_slice %arg4[%dma_wait3A_371, %dma_wait3A_379, %mul3A_2] : memref<50x32x4096xf32, #tpu.memory_space<hbm>> -> memref<1x32x128xf32, #tpu.memory_space<hbm>>
        %dma_wait3A_381 = tpu.memref_squeeze %dma_wait3A_380 : memref<1x32x128xf32, #tpu.memory_space<hbm>> -> memref<32x128xf32, #tpu.memory_space<hbm>>
        %dma_wait3A_382 = arith.constant 0 : i32
        %dma_wait3A_383 = arith.constant 0 : i32
        %dma_wait3A_384 = tpu.memref_slice %arg7[%dma_wait3A_370, %dma_wait3A_382, %dma_wait3A_383] : memref<2x32x128xf32, #tpu.memory_space<vmem>> -> memref<1x32x128xf32, #tpu.memory_space<vmem>>
        %dma_wait3A_385 = tpu.memref_squeeze %dma_wait3A_384 : memref<1x32x128xf32, #tpu.memory_space<vmem>> -> memref<32x128xf32, #tpu.memory_space<vmem>>
        tpu.wait_dma2 semaphore(%arg13 : memref<!tpu.dma_semaphore, #tpu.memory_space<semaphore_mem>>) src(%dma_wait3A_385 : memref<32x128xf32, #tpu.memory_space<vmem>>) dst(%dma_wait3A_381 : memref<32x128xf32, #tpu.memory_space<hbm>>)
      } else {
      }
      %scan3A_350 = arith.constant 0 : i32
      %scan3A_351 = arith.constant 32 : i32
      %scan3A_352 = arith.addi %scan3A_350, %scan3A_351 : i32
      %scan3A_353 = arith.constant 1 : i32
      scf.for %scan3A_370 = %scan3A_350 to %scan3A_352 step %scan3A_353  : i32 {
        %mul3A_371 = arith.constant 0 : i32
        %mul3A_372 = vector.broadcast %mul3A_371 : i32 to vector<16xi32>
        %mul3A_373 = arith.muli %iota3A, %mul3A_372 : vector<16xi32>
        %add3A_374 = vector.broadcast %scan3A_370 : i32 to vector<16xi32>
        %add3A_375 = arith.addi %mul3A_373, %add3A_374 : vector<16xi32>
        %add3A_376 = arith.constant 0 : i32
        %add3A_377 = vector.broadcast %add3A_376 : i32 to vector<16xi32>
        %add3A_378 = arith.addi %iota3A, %add3A_377 : vector<16xi32>
        %gather3A = arith.constant 3 : i32
        %gather3A_379 = arith.constant 0 : i32
        %gather3A_380 = arith.constant 0 : i32
        %gather3A_381 = tpu.memref_slice %arg6[%gather3A, %gather3A_379, %gather3A_380] : memref<4x128x32xf32, #tpu.memory_space<vmem>> -> memref<1x128x32xf32, #tpu.memory_space<vmem>>
        %gather3A_382 = tpu.memref_squeeze %gather3A_381 : memref<1x128x32xf32, #tpu.memory_space<vmem>> -> memref<128x32xf32, #tpu.memory_space<vmem>>
        %gather3A_383 = tpu.vector_load_idx %gather3A_382[%add3A_378, %add3A_375] : memref<128x32xf32, #tpu.memory_space<vmem>>[vector<16xi32>, vector<16xi32>], vector<16xf32>,
        %swap3A = arith.constant 1 : i32
        %swap3A_384 = arith.index_cast %swap3A : i32 to index
        %swap3A_385 = arith.index_cast %scan3A_370 : i32 to index
        %swap3A_386 = arith.constant 0 : index
        %swap3A_387 = tpu.vector_load %arg7[%swap3A_384, %swap3A_385, %swap3A_386] {strides = array<i32>} : memref<2x32x128xf32, #tpu.memory_space<vmem>>, vector<16xf32>,
        tpu.vector_store %arg7[%swap3A_384, %swap3A_385, %swap3A_386], %gather3A_383 {strides = array<i32>} : memref<2x32x128xf32, #tpu.memory_space<vmem>>, vector<16xf32>,
        %add3A_388 = arith.constant 16 : i32
        %add3A_389 = vector.broadcast %add3A_388 : i32 to vector<16xi32>
        %add3A_390 = arith.addi %iota3A, %add3A_389 : vector<16xi32>
        %gather3A_391 = arith.constant 3 : i32
        %gather3A_392 = arith.constant 0 : i32
        %gather3A_393 = arith.constant 0 : i32
        %gather3A_394 = tpu.memref_slice %arg6[%gather3A_391, %gather3A_392, %gather3A_393] : memref<4x128x32xf32, #tpu.memory_space<vmem>> -> memref<1x128x32xf32, #tpu.memory_space<vmem>>
        %gather3A_395 = tpu.memref_squeeze %gather3A_394 : memref<1x128x32xf32, #tpu.memory_space<vmem>> -> memref<128x32xf32, #tpu.memory_space<vmem>>
        %gather3A_396 = tpu.vector_load_idx %gather3A_395[%add3A_390, %add3A_375] : memref<128x32xf32, #tpu.memory_space<vmem>>[vector<16xi32>, vector<16xi32>], vector<16xf32>,
        %swap3A_397 = arith.constant 1 : i32
        %swap3A_398 = arith.index_cast %swap3A_397 : i32 to index
        %swap3A_399 = arith.index_cast %scan3A_370 : i32 to index
        %swap3A_400 = arith.constant 16 : index
        %swap3A_401 = tpu.vector_load %arg7[%swap3A_398, %swap3A_399, %swap3A_400] {strides = array<i32>} : memref<2x32x128xf32, #tpu.memory_space<vmem>>, vector<16xf32>,
        tpu.vector_store %arg7[%swap3A_398, %swap3A_399, %swap3A_400], %gather3A_396 {strides = array<i32>} : memref<2x32x128xf32, #tpu.memory_space<vmem>>, vector<16xf32>,
        %add3A_402 = arith.constant 32 : i32
        %add3A_403 = vector.broadcast %add3A_402 : i32 to vector<16xi32>
        %add3A_404 = arith.addi %iota3A, %add3A_403 : vector<16xi32>
        %gather3A_405 = arith.constant 3 : i32
        %gather3A_406 = arith.constant 0 : i32
        %gather3A_407 = arith.constant 0 : i32
        %gather3A_408 = tpu.memref_slice %arg6[%gather3A_405, %gather3A_406, %gather3A_407] : memref<4x128x32xf32, #tpu.memory_space<vmem>> -> memref<1x128x32xf32, #tpu.memory_space<vmem>>
        %gather3A_409 = tpu.memref_squeeze %gather3A_408 : memref<1x128x32xf32, #tpu.memory_space<vmem>> -> memref<128x32xf32, #tpu.memory_space<vmem>>
        %gather3A_410 = tpu.vector_load_idx %gather3A_409[%add3A_404, %add3A_375] : memref<128x32xf32, #tpu.memory_space<vmem>>[vector<16xi32>, vector<16xi32>], vector<16xf32>,
        %swap3A_411 = arith.constant 1 : i32
        %swap3A_412 = arith.index_cast %swap3A_411 : i32 to index
        %swap3A_413 = arith.index_cast %scan3A_370 : i32 to index
        %swap3A_414 = arith.constant 32 : index
        %swap3A_415 = tpu.vector_load %arg7[%swap3A_412, %swap3A_413, %swap3A_414] {strides = array<i32>} : memref<2x32x128xf32, #tpu.memory_space<vmem>>, vector<16xf32>,
        tpu.vector_store %arg7[%swap3A_412, %swap3A_413, %swap3A_414], %gather3A_410 {strides = array<i32>} : memref<2x32x128xf32, #tpu.memory_space<vmem>>, vector<16xf32>,
        %add3A_416 = arith.constant 48 : i32
        %add3A_417 = vector.broadcast %add3A_416 : i32 to vector<16xi32>
        %add3A_418 = arith.addi %iota3A, %add3A_417 : vector<16xi32>
        %gather3A_419 = arith.constant 3 : i32
        %gather3A_420 = arith.constant 0 : i32
        %gather3A_421 = arith.constant 0 : i32
        %gather3A_422 = tpu.memref_slice %arg6[%gather3A_419, %gather3A_420, %gather3A_421] : memref<4x128x32xf32, #tpu.memory_space<vmem>> -> memref<1x128x32xf32, #tpu.memory_space<vmem>>
        %gather3A_423 = tpu.memref_squeeze %gather3A_422 : memref<1x128x32xf32, #tpu.memory_space<vmem>> -> memref<128x32xf32, #tpu.memory_space<vmem>>
        %gather3A_424 = tpu.vector_load_idx %gather3A_423[%add3A_418, %add3A_375] : memref<128x32xf32, #tpu.memory_space<vmem>>[vector<16xi32>, vector<16xi32>], vector<16xf32>,
        %swap3A_425 = arith.constant 1 : i32
        %swap3A_426 = arith.index_cast %swap3A_425 : i32 to index
        %swap3A_427 = arith.index_cast %scan3A_370 : i32 to index
        %swap3A_428 = arith.constant 48 : index
        %swap3A_429 = tpu.vector_load %arg7[%swap3A_426, %swap3A_427, %swap3A_428] {strides = array<i32>} : memref<2x32x128xf32, #tpu.memory_space<vmem>>, vector<16xf32>,
        tpu.vector_store %arg7[%swap3A_426, %swap3A_427, %swap3A_428], %gather3A_424 {strides = array<i32>} : memref<2x32x128xf32, #tpu.memory_space<vmem>>, vector<16xf32>,
        %add3A_430 = arith.constant 64 : i32
        %add3A_431 = vector.broadcast %add3A_430 : i32 to vector<16xi32>
        %add3A_432 = arith.addi %iota3A, %add3A_431 : vector<16xi32>
        %gather3A_433 = arith.constant 3 : i32
        %gather3A_434 = arith.constant 0 : i32
        %gather3A_435 = arith.constant 0 : i32
        %gather3A_436 = tpu.memref_slice %arg6[%gather3A_433, %gather3A_434, %gather3A_435] : memref<4x128x32xf32, #tpu.memory_space<vmem>> -> memref<1x128x32xf32, #tpu.memory_space<vmem>>
        %gather3A_437 = tpu.memref_squeeze %gather3A_436 : memref<1x128x32xf32, #tpu.memory_space<vmem>> -> memref<128x32xf32, #tpu.memory_space<vmem>>
        %gather3A_438 = tpu.vector_load_idx %gather3A_437[%add3A_432, %add3A_375] : memref<128x32xf32, #tpu.memory_space<vmem>>[vector<16xi32>, vector<16xi32>], vector<16xf32>,
        %swap3A_439 = arith.constant 1 : i32
        %swap3A_440 = arith.index_cast %swap3A_439 : i32 to index
        %swap3A_441 = arith.index_cast %scan3A_370 : i32 to index
        %swap3A_442 = arith.constant 64 : index
        %swap3A_443 = tpu.vector_load %arg7[%swap3A_440, %swap3A_441, %swap3A_442] {strides = array<i32>} : memref<2x32x128xf32, #tpu.memory_space<vmem>>, vector<16xf32>,
        tpu.vector_store %arg7[%swap3A_440, %swap3A_441, %swap3A_442], %gather3A_438 {strides = array<i32>} : memref<2x32x128xf32, #tpu.memory_space<vmem>>, vector<16xf32>,
        %add3A_444 = arith.constant 80 : i32
        %add3A_445 = vector.broadcast %add3A_444 : i32 to vector<16xi32>
        %add3A_446 = arith.addi %iota3A, %add3A_445 : vector<16xi32>
        %gather3A_447 = arith.constant 3 : i32
        %gather3A_448 = arith.constant 0 : i32
        %gather3A_449 = arith.constant 0 : i32
        %gather3A_450 = tpu.memref_slice %arg6[%gather3A_447, %gather3A_448, %gather3A_449] : memref<4x128x32xf32, #tpu.memory_space<vmem>> -> memref<1x128x32xf32, #tpu.memory_space<vmem>>
        %gather3A_451 = tpu.memref_squeeze %gather3A_450 : memref<1x128x32xf32, #tpu.memory_space<vmem>> -> memref<128x32xf32, #tpu.memory_space<vmem>>
        %gather3A_452 = tpu.vector_load_idx %gather3A_451[%add3A_446, %add3A_375] : memref<128x32xf32, #tpu.memory_space<vmem>>[vector<16xi32>, vector<16xi32>], vector<16xf32>,
        %swap3A_453 = arith.constant 1 : i32
        %swap3A_454 = arith.index_cast %swap3A_453 : i32 to index
        %swap3A_455 = arith.index_cast %scan3A_370 : i32 to index
        %swap3A_456 = arith.constant 80 : index
        %swap3A_457 = tpu.vector_load %arg7[%swap3A_454, %swap3A_455, %swap3A_456] {strides = array<i32>} : memref<2x32x128xf32, #tpu.memory_space<vmem>>, vector<16xf32>,
        tpu.vector_store %arg7[%swap3A_454, %swap3A_455, %swap3A_456], %gather3A_452 {strides = array<i32>} : memref<2x32x128xf32, #tpu.memory_space<vmem>>, vector<16xf32>,
        %add3A_458 = arith.constant 96 : i32
        %add3A_459 = vector.broadcast %add3A_458 : i32 to vector<16xi32>
        %add3A_460 = arith.addi %iota3A, %add3A_459 : vector<16xi32>
        %gather3A_461 = arith.constant 3 : i32
        %gather3A_462 = arith.constant 0 : i32
        %gather3A_463 = arith.constant 0 : i32
        %gather3A_464 = tpu.memref_slice %arg6[%gather3A_461, %gather3A_462, %gather3A_463] : memref<4x128x32xf32, #tpu.memory_space<vmem>> -> memref<1x128x32xf32, #tpu.memory_space<vmem>>
        %gather3A_465 = tpu.memref_squeeze %gather3A_464 : memref<1x128x32xf32, #tpu.memory_space<vmem>> -> memref<128x32xf32, #tpu.memory_space<vmem>>
        %gather3A_466 = tpu.vector_load_idx %gather3A_465[%add3A_460, %add3A_375] : memref<128x32xf32, #tpu.memory_space<vmem>>[vector<16xi32>, vector<16xi32>], vector<16xf32>,
        %swap3A_467 = arith.constant 1 : i32
        %swap3A_468 = arith.index_cast %swap3A_467 : i32 to index
        %swap3A_469 = arith.index_cast %scan3A_370 : i32 to index
        %swap3A_470 = arith.constant 96 : index
        %swap3A_471 = tpu.vector_load %arg7[%swap3A_468, %swap3A_469, %swap3A_470] {strides = array<i32>} : memref<2x32x128xf32, #tpu.memory_space<vmem>>, vector<16xf32>,
        tpu.vector_store %arg7[%swap3A_468, %swap3A_469, %swap3A_470], %gather3A_466 {strides = array<i32>} : memref<2x32x128xf32, #tpu.memory_space<vmem>>, vector<16xf32>,
        %add3A_472 = arith.constant 112 : i32
        %add3A_473 = vector.broadcast %add3A_472 : i32 to vector<16xi32>
        %add3A_474 = arith.addi %iota3A, %add3A_473 : vector<16xi32>
        %gather3A_475 = arith.constant 3 : i32
        %gather3A_476 = arith.constant 0 : i32
        %gather3A_477 = arith.constant 0 : i32
        %gather3A_478 = tpu.memref_slice %arg6[%gather3A_475, %gather3A_476, %gather3A_477] : memref<4x128x32xf32, #tpu.memory_space<vmem>> -> memref<1x128x32xf32, #tpu.memory_space<vmem>>
        %gather3A_479 = tpu.memref_squeeze %gather3A_478 : memref<1x128x32xf32, #tpu.memory_space<vmem>> -> memref<128x32xf32, #tpu.memory_space<vmem>>
        %gather3A_480 = tpu.vector_load_idx %gather3A_479[%add3A_474, %add3A_375] : memref<128x32xf32, #tpu.memory_space<vmem>>[vector<16xi32>, vector<16xi32>], vector<16xf32>,
        %swap3A_481 = arith.constant 1 : i32
        %swap3A_482 = arith.index_cast %swap3A_481 : i32 to index
        %swap3A_483 = arith.index_cast %scan3A_370 : i32 to index
        %swap3A_484 = arith.constant 112 : index
        %swap3A_485 = tpu.vector_load %arg7[%swap3A_482, %swap3A_483, %swap3A_484] {strides = array<i32>} : memref<2x32x128xf32, #tpu.memory_space<vmem>>, vector<16xf32>,
        tpu.vector_store %arg7[%swap3A_482, %swap3A_483, %swap3A_484], %gather3A_480 {strides = array<i32>} : memref<2x32x128xf32, #tpu.memory_space<vmem>>, vector<16xf32>,
      }
      %scan3A_354 = arith.constant 32 : i32
      %dma_start3A_355 = arith.constant 1 : i32
      %dma_start3A_356 = arith.constant 0 : i32
      %dma_start3A_357 = arith.constant 0 : i32
      %dma_start3A_358 = tpu.memref_slice %arg7[%dma_start3A_355, %dma_start3A_356, %dma_start3A_357] : memref<2x32x128xf32, #tpu.memory_space<vmem>> -> memref<1x32x128xf32, #tpu.memory_space<vmem>>
      %dma_start3A_359 = tpu.memref_squeeze %dma_start3A_358 : memref<1x32x128xf32, #tpu.memory_space<vmem>> -> memref<32x128xf32, #tpu.memory_space<vmem>>
      %dma_start3A_360 = arith.constant 0 : i32
      %dma_start3A_361 = tpu.memref_slice %arg4[%add3A_322, %dma_start3A_360, %mul3A_2] : memref<50x32x4096xf32, #tpu.memory_space<hbm>> -> memref<1x32x128xf32, #tpu.memory_space<hbm>>
      %dma_start3A_362 = tpu.memref_squeeze %dma_start3A_361 : memref<1x32x128xf32, #tpu.memory_space<hbm>> -> memref<32x128xf32, #tpu.memory_space<hbm>>
      %dma_start3A_363 = arith.constant 0 : i32
      %dma_start3A_364 = tpu.memref_slice %arg4[%add3A_322, %dma_start3A_363, %mul3A_2] : memref<50x32x4096xf32, #tpu.memory_space<hbm>> -> memref<1x32x128xf32, #tpu.memory_space<hbm>>
      %dma_start3A_365 = tpu.memref_squeeze %dma_start3A_364 : memref<1x32x128xf32, #tpu.memory_space<hbm>> -> memref<32x128xf32, #tpu.memory_space<hbm>>
      %dma_start3A_366 = arith.constant 0 : i32
      %dma_start3A_367 = arith.constant 0 : i32
      %dma_start3A_368 = tpu.memref_slice %arg7[%dma_start3A_355, %dma_start3A_366, %dma_start3A_367] : memref<2x32x128xf32, #tpu.memory_space<vmem>> -> memref<1x32x128xf32, #tpu.memory_space<vmem>>
      %dma_start3A_369 = tpu.memref_squeeze %dma_start3A_368 : memref<1x32x128xf32, #tpu.memory_space<vmem>> -> memref<32x128xf32, #tpu.memory_space<vmem>>
      tpu.enqueue_dma source(%dma_start3A_369 : memref<32x128xf32, #tpu.memory_space<vmem>>) target(%dma_start3A_365 : memref<32x128xf32, #tpu.memory_space<hbm>>) target_semaphore(%arg13 : memref<!tpu.dma_semaphore, #tpu.memory_space<semaphore_mem>>)
    }
    %scan3A_41 = arith.constant 12 : i32
    %dma_wait3A = arith.constant 0 : i32
    %dma_wait3A_42 = arith.constant 0 : i32
    %dma_wait3A_43 = arith.constant 0 : i32
    %dma_wait3A_44 = tpu.memref_slice %arg6[%dma_wait3A, %dma_wait3A_42, %dma_wait3A_43] : memref<4x128x32xf32, #tpu.memory_space<vmem>> -> memref<1x128x32xf32, #tpu.memory_space<vmem>>
    %dma_wait3A_45 = tpu.memref_squeeze %dma_wait3A_44 : memref<1x128x32xf32, #tpu.memory_space<vmem>> -> memref<128x32xf32, #tpu.memory_space<vmem>>
    %dma_wait3A_46 = arith.constant 0 : i32
    %dma_wait3A_47 = arith.constant 0 : i32
    %dma_wait3A_48 = tpu.memref_slice %arg3[%dma_wait3A_46, %dma_wait3A_47] : memref<1000000x32xf32, #tpu.memory_space<hbm>> -> memref<128x32xf32, #tpu.memory_space<hbm>>
    %dma_wait3A_49 = arith.constant 0 : i32
    %dma_wait3A_50 = arith.constant 0 : i32
    %dma_wait3A_51 = tpu.memref_slice %arg6[%dma_wait3A, %dma_wait3A_49, %dma_wait3A_50] : memref<4x128x32xf32, #tpu.memory_space<vmem>> -> memref<1x128x32xf32, #tpu.memory_space<vmem>>
    %dma_wait3A_52 = tpu.memref_squeeze %dma_wait3A_51 : memref<1x128x32xf32, #tpu.memory_space<vmem>> -> memref<128x32xf32, #tpu.memory_space<vmem>>
    %dma_wait3A_53 = arith.constant 0 : i32
    %dma_wait3A_54 = arith.constant 0 : i32
    %dma_wait3A_55 = tpu.memref_slice %arg3[%dma_wait3A_53, %dma_wait3A_54] : memref<1000000x32xf32, #tpu.memory_space<hbm>> -> memref<128x32xf32, #tpu.memory_space<hbm>>
    tpu.wait_dma2 semaphore(%arg8 : memref<!tpu.dma_semaphore, #tpu.memory_space<semaphore_mem>>) src(%dma_wait3A_55 : memref<128x32xf32, #tpu.memory_space<hbm>>) dst(%dma_wait3A_52 : memref<128x32xf32, #tpu.memory_space<vmem>>)
    %dma_wait3A_56 = arith.constant 0 : i32
    %dma_wait3A_57 = arith.constant 0 : i32
    %dma_wait3A_58 = arith.constant 0 : i32
    %dma_wait3A_59 = arith.constant 0 : i32
    %dma_wait3A_60 = tpu.memref_slice %arg7[%dma_wait3A_56, %dma_wait3A_58, %dma_wait3A_59] : memref<2x32x128xf32, #tpu.memory_space<vmem>> -> memref<1x32x128xf32, #tpu.memory_space<vmem>>
    %dma_wait3A_61 = tpu.memref_squeeze %dma_wait3A_60 : memref<1x32x128xf32, #tpu.memory_space<vmem>> -> memref<32x128xf32, #tpu.memory_space<vmem>>
    %dma_wait3A_62 = arith.constant 0 : i32
    %dma_wait3A_63 = tpu.memref_slice %arg4[%dma_wait3A_57, %dma_wait3A_62, %mul3A_2] : memref<50x32x4096xf32, #tpu.memory_space<hbm>> -> memref<1x32x128xf32, #tpu.memory_space<hbm>>
    %dma_wait3A_64 = tpu.memref_squeeze %dma_wait3A_63 : memref<1x32x128xf32, #tpu.memory_space<hbm>> -> memref<32x128xf32, #tpu.memory_space<hbm>>
    %dma_wait3A_65 = arith.constant 0 : i32
    %dma_wait3A_66 = tpu.memref_slice %arg4[%dma_wait3A_57, %dma_wait3A_65, %mul3A_2] : memref<50x32x4096xf32, #tpu.memory_space<hbm>> -> memref<1x32x128xf32, #tpu.memory_space<hbm>>
    %dma_wait3A_67 = tpu.memref_squeeze %dma_wait3A_66 : memref<1x32x128xf32, #tpu.memory_space<hbm>> -> memref<32x128xf32, #tpu.memory_space<hbm>>
    %dma_wait3A_68 = arith.constant 0 : i32
    %dma_wait3A_69 = arith.constant 0 : i32
    %dma_wait3A_70 = tpu.memref_slice %arg7[%dma_wait3A_56, %dma_wait3A_68, %dma_wait3A_69] : memref<2x32x128xf32, #tpu.memory_space<vmem>> -> memref<1x32x128xf32, #tpu.memory_space<vmem>>
    %dma_wait3A_71 = tpu.memref_squeeze %dma_wait3A_70 : memref<1x32x128xf32, #tpu.memory_space<vmem>> -> memref<32x128xf32, #tpu.memory_space<vmem>>
    tpu.wait_dma2 semaphore(%arg12 : memref<!tpu.dma_semaphore, #tpu.memory_space<semaphore_mem>>) src(%dma_wait3A_71 : memref<32x128xf32, #tpu.memory_space<vmem>>) dst(%dma_wait3A_67 : memref<32x128xf32, #tpu.memory_space<hbm>>)
    %scan3A_72 = arith.constant 0 : i32
    %scan3A_73 = arith.constant 32 : i32
    %scan3A_74 = arith.addi %scan3A_72, %scan3A_73 : i32
    %scan3A_75 = arith.constant 1 : i32
    scf.for %scan3A_177 = %scan3A_72 to %scan3A_74 step %scan3A_75  : i32 {
      %mul3A_178 = arith.constant 0 : i32
      %mul3A_179 = vector.broadcast %mul3A_178 : i32 to vector<16xi32>
      %mul3A_180 = arith.muli %iota3A, %mul3A_179 : vector<16xi32>
      %add3A_181 = vector.broadcast %scan3A_177 : i32 to vector<16xi32>
      %add3A_182 = arith.addi %mul3A_180, %add3A_181 : vector<16xi32>
      %add3A_183 = arith.constant 0 : i32
      %add3A_184 = vector.broadcast %add3A_183 : i32 to vector<16xi32>
      %add3A_185 = arith.addi %iota3A, %add3A_184 : vector<16xi32>
      %gather3A = arith.constant 0 : i32
      %gather3A_186 = arith.constant 0 : i32
      %gather3A_187 = arith.constant 0 : i32
      %gather3A_188 = tpu.memref_slice %arg6[%gather3A, %gather3A_186, %gather3A_187] : memref<4x128x32xf32, #tpu.memory_space<vmem>> -> memref<1x128x32xf32, #tpu.memory_space<vmem>>
      %gather3A_189 = tpu.memref_squeeze %gather3A_188 : memref<1x128x32xf32, #tpu.memory_space<vmem>> -> memref<128x32xf32, #tpu.memory_space<vmem>>
      %gather3A_190 = tpu.vector_load_idx %gather3A_189[%add3A_185, %add3A_182] : memref<128x32xf32, #tpu.memory_space<vmem>>[vector<16xi32>, vector<16xi32>], vector<16xf32>,
      %swap3A = arith.constant 0 : i32
      %swap3A_191 = arith.index_cast %swap3A : i32 to index
      %swap3A_192 = arith.index_cast %scan3A_177 : i32 to index
      %swap3A_193 = arith.constant 0 : index
      %swap3A_194 = tpu.vector_load %arg7[%swap3A_191, %swap3A_192, %swap3A_193] {strides = array<i32>} : memref<2x32x128xf32, #tpu.memory_space<vmem>>, vector<16xf32>,
      tpu.vector_store %arg7[%swap3A_191, %swap3A_192, %swap3A_193], %gather3A_190 {strides = array<i32>} : memref<2x32x128xf32, #tpu.memory_space<vmem>>, vector<16xf32>,
      %add3A_195 = arith.constant 16 : i32
      %add3A_196 = vector.broadcast %add3A_195 : i32 to vector<16xi32>
      %add3A_197 = arith.addi %iota3A, %add3A_196 : vector<16xi32>
      %gather3A_198 = arith.constant 0 : i32
      %gather3A_199 = arith.constant 0 : i32
      %gather3A_200 = arith.constant 0 : i32
      %gather3A_201 = tpu.memref_slice %arg6[%gather3A_198, %gather3A_199, %gather3A_200] : memref<4x128x32xf32, #tpu.memory_space<vmem>> -> memref<1x128x32xf32, #tpu.memory_space<vmem>>
      %gather3A_202 = tpu.memref_squeeze %gather3A_201 : memref<1x128x32xf32, #tpu.memory_space<vmem>> -> memref<128x32xf32, #tpu.memory_space<vmem>>
      %gather3A_203 = tpu.vector_load_idx %gather3A_202[%add3A_197, %add3A_182] : memref<128x32xf32, #tpu.memory_space<vmem>>[vector<16xi32>, vector<16xi32>], vector<16xf32>,
      %swap3A_204 = arith.constant 0 : i32
      %swap3A_205 = arith.index_cast %swap3A_204 : i32 to index
      %swap3A_206 = arith.index_cast %scan3A_177 : i32 to index
      %swap3A_207 = arith.constant 16 : index
      %swap3A_208 = tpu.vector_load %arg7[%swap3A_205, %swap3A_206, %swap3A_207] {strides = array<i32>} : memref<2x32x128xf32, #tpu.memory_space<vmem>>, vector<16xf32>,
      tpu.vector_store %arg7[%swap3A_205, %swap3A_206, %swap3A_207], %gather3A_203 {strides = array<i32>} : memref<2x32x128xf32, #tpu.memory_space<vmem>>, vector<16xf32>,
      %add3A_209 = arith.constant 32 : i32
      %add3A_210 = vector.broadcast %add3A_209 : i32 to vector<16xi32>
      %add3A_211 = arith.addi %iota3A, %add3A_210 : vector<16xi32>
      %gather3A_212 = arith.constant 0 : i32
      %gather3A_213 = arith.constant 0 : i32
      %gather3A_214 = arith.constant 0 : i32
      %gather3A_215 = tpu.memref_slice %arg6[%gather3A_212, %gather3A_213, %gather3A_214] : memref<4x128x32xf32, #tpu.memory_space<vmem>> -> memref<1x128x32xf32, #tpu.memory_space<vmem>>
      %gather3A_216 = tpu.memref_squeeze %gather3A_215 : memref<1x128x32xf32, #tpu.memory_space<vmem>> -> memref<128x32xf32, #tpu.memory_space<vmem>>
      %gather3A_217 = tpu.vector_load_idx %gather3A_216[%add3A_211, %add3A_182] : memref<128x32xf32, #tpu.memory_space<vmem>>[vector<16xi32>, vector<16xi32>], vector<16xf32>,
      %swap3A_218 = arith.constant 0 : i32
      %swap3A_219 = arith.index_cast %swap3A_218 : i32 to index
      %swap3A_220 = arith.index_cast %scan3A_177 : i32 to index
      %swap3A_221 = arith.constant 32 : index
      %swap3A_222 = tpu.vector_load %arg7[%swap3A_219, %swap3A_220, %swap3A_221] {strides = array<i32>} : memref<2x32x128xf32, #tpu.memory_space<vmem>>, vector<16xf32>,
      tpu.vector_store %arg7[%swap3A_219, %swap3A_220, %swap3A_221], %gather3A_217 {strides = array<i32>} : memref<2x32x128xf32, #tpu.memory_space<vmem>>, vector<16xf32>,
      %add3A_223 = arith.constant 48 : i32
      %add3A_224 = vector.broadcast %add3A_223 : i32 to vector<16xi32>
      %add3A_225 = arith.addi %iota3A, %add3A_224 : vector<16xi32>
      %gather3A_226 = arith.constant 0 : i32
      %gather3A_227 = arith.constant 0 : i32
      %gather3A_228 = arith.constant 0 : i32
      %gather3A_229 = tpu.memref_slice %arg6[%gather3A_226, %gather3A_227, %gather3A_228] : memref<4x128x32xf32, #tpu.memory_space<vmem>> -> memref<1x128x32xf32, #tpu.memory_space<vmem>>
      %gather3A_230 = tpu.memref_squeeze %gather3A_229 : memref<1x128x32xf32, #tpu.memory_space<vmem>> -> memref<128x32xf32, #tpu.memory_space<vmem>>
      %gather3A_231 = tpu.vector_load_idx %gather3A_230[%add3A_225, %add3A_182] : memref<128x32xf32, #tpu.memory_space<vmem>>[vector<16xi32>, vector<16xi32>], vector<16xf32>,
      %swap3A_232 = arith.constant 0 : i32
      %swap3A_233 = arith.index_cast %swap3A_232 : i32 to index
      %swap3A_234 = arith.index_cast %scan3A_177 : i32 to index
      %swap3A_235 = arith.constant 48 : index
      %swap3A_236 = tpu.vector_load %arg7[%swap3A_233, %swap3A_234, %swap3A_235] {strides = array<i32>} : memref<2x32x128xf32, #tpu.memory_space<vmem>>, vector<16xf32>,
      tpu.vector_store %arg7[%swap3A_233, %swap3A_234, %swap3A_235], %gather3A_231 {strides = array<i32>} : memref<2x32x128xf32, #tpu.memory_space<vmem>>, vector<16xf32>,
      %add3A_237 = arith.constant 64 : i32
      %add3A_238 = vector.broadcast %add3A_237 : i32 to vector<16xi32>
      %add3A_239 = arith.addi %iota3A, %add3A_238 : vector<16xi32>
      %gather3A_240 = arith.constant 0 : i32
      %gather3A_241 = arith.constant 0 : i32
      %gather3A_242 = arith.constant 0 : i32
      %gather3A_243 = tpu.memref_slice %arg6[%gather3A_240, %gather3A_241, %gather3A_242] : memref<4x128x32xf32, #tpu.memory_space<vmem>> -> memref<1x128x32xf32, #tpu.memory_space<vmem>>
      %gather3A_244 = tpu.memref_squeeze %gather3A_243 : memref<1x128x32xf32, #tpu.memory_space<vmem>> -> memref<128x32xf32, #tpu.memory_space<vmem>>
      %gather3A_245 = tpu.vector_load_idx %gather3A_244[%add3A_239, %add3A_182] : memref<128x32xf32, #tpu.memory_space<vmem>>[vector<16xi32>, vector<16xi32>], vector<16xf32>,
      %swap3A_246 = arith.constant 0 : i32
      %swap3A_247 = arith.index_cast %swap3A_246 : i32 to index
      %swap3A_248 = arith.index_cast %scan3A_177 : i32 to index
      %swap3A_249 = arith.constant 64 : index
      %swap3A_250 = tpu.vector_load %arg7[%swap3A_247, %swap3A_248, %swap3A_249] {strides = array<i32>} : memref<2x32x128xf32, #tpu.memory_space<vmem>>, vector<16xf32>,
      tpu.vector_store %arg7[%swap3A_247, %swap3A_248, %swap3A_249], %gather3A_245 {strides = array<i32>} : memref<2x32x128xf32, #tpu.memory_space<vmem>>, vector<16xf32>,
      %add3A_251 = arith.constant 80 : i32
      %add3A_252 = vector.broadcast %add3A_251 : i32 to vector<16xi32>
      %add3A_253 = arith.addi %iota3A, %add3A_252 : vector<16xi32>
      %gather3A_254 = arith.constant 0 : i32
      %gather3A_255 = arith.constant 0 : i32
      %gather3A_256 = arith.constant 0 : i32
      %gather3A_257 = tpu.memref_slice %arg6[%gather3A_254, %gather3A_255, %gather3A_256] : memref<4x128x32xf32, #tpu.memory_space<vmem>> -> memref<1x128x32xf32, #tpu.memory_space<vmem>>
      %gather3A_258 = tpu.memref_squeeze %gather3A_257 : memref<1x128x32xf32, #tpu.memory_space<vmem>> -> memref<128x32xf32, #tpu.memory_space<vmem>>
      %gather3A_259 = tpu.vector_load_idx %gather3A_258[%add3A_253, %add3A_182] : memref<128x32xf32, #tpu.memory_space<vmem>>[vector<16xi32>, vector<16xi32>], vector<16xf32>,
      %swap3A_260 = arith.constant 0 : i32
      %swap3A_261 = arith.index_cast %swap3A_260 : i32 to index
      %swap3A_262 = arith.index_cast %scan3A_177 : i32 to index
      %swap3A_263 = arith.constant 80 : index
      %swap3A_264 = tpu.vector_load %arg7[%swap3A_261, %swap3A_262, %swap3A_263] {strides = array<i32>} : memref<2x32x128xf32, #tpu.memory_space<vmem>>, vector<16xf32>,
      tpu.vector_store %arg7[%swap3A_261, %swap3A_262, %swap3A_263], %gather3A_259 {strides = array<i32>} : memref<2x32x128xf32, #tpu.memory_space<vmem>>, vector<16xf32>,
      %add3A_265 = arith.constant 96 : i32
      %add3A_266 = vector.broadcast %add3A_265 : i32 to vector<16xi32>
      %add3A_267 = arith.addi %iota3A, %add3A_266 : vector<16xi32>
      %gather3A_268 = arith.constant 0 : i32
      %gather3A_269 = arith.constant 0 : i32
      %gather3A_270 = arith.constant 0 : i32
      %gather3A_271 = tpu.memref_slice %arg6[%gather3A_268, %gather3A_269, %gather3A_270] : memref<4x128x32xf32, #tpu.memory_space<vmem>> -> memref<1x128x32xf32, #tpu.memory_space<vmem>>
      %gather3A_272 = tpu.memref_squeeze %gather3A_271 : memref<1x128x32xf32, #tpu.memory_space<vmem>> -> memref<128x32xf32, #tpu.memory_space<vmem>>
      %gather3A_273 = tpu.vector_load_idx %gather3A_272[%add3A_267, %add3A_182] : memref<128x32xf32, #tpu.memory_space<vmem>>[vector<16xi32>, vector<16xi32>], vector<16xf32>,
      %swap3A_274 = arith.constant 0 : i32
      %swap3A_275 = arith.index_cast %swap3A_274 : i32 to index
      %swap3A_276 = arith.index_cast %scan3A_177 : i32 to index
      %swap3A_277 = arith.constant 96 : index
      %swap3A_278 = tpu.vector_load %arg7[%swap3A_275, %swap3A_276, %swap3A_277] {strides = array<i32>} : memref<2x32x128xf32, #tpu.memory_space<vmem>>, vector<16xf32>,
      tpu.vector_store %arg7[%swap3A_275, %swap3A_276, %swap3A_277], %gather3A_273 {strides = array<i32>} : memref<2x32x128xf32, #tpu.memory_space<vmem>>, vector<16xf32>,
      %add3A_279 = arith.constant 112 : i32
      %add3A_280 = vector.broadcast %add3A_279 : i32 to vector<16xi32>
      %add3A_281 = arith.addi %iota3A, %add3A_280 : vector<16xi32>
      %gather3A_282 = arith.constant 0 : i32
      %gather3A_283 = arith.constant 0 : i32
      %gather3A_284 = arith.constant 0 : i32
      %gather3A_285 = tpu.memref_slice %arg6[%gather3A_282, %gather3A_283, %gather3A_284] : memref<4x128x32xf32, #tpu.memory_space<vmem>> -> memref<1x128x32xf32, #tpu.memory_space<vmem>>
      %gather3A_286 = tpu.memref_squeeze %gather3A_285 : memref<1x128x32xf32, #tpu.memory_space<vmem>> -> memref<128x32xf32, #tpu.memory_space<vmem>>
      %gather3A_287 = tpu.vector_load_idx %gather3A_286[%add3A_281, %add3A_182] : memref<128x32xf32, #tpu.memory_space<vmem>>[vector<16xi32>, vector<16xi32>], vector<16xf32>,
      %swap3A_288 = arith.constant 0 : i32
      %swap3A_289 = arith.index_cast %swap3A_288 : i32 to index
      %swap3A_290 = arith.index_cast %scan3A_177 : i32 to index
      %swap3A_291 = arith.constant 112 : index
      %swap3A_292 = tpu.vector_load %arg7[%swap3A_289, %swap3A_290, %swap3A_291] {strides = array<i32>} : memref<2x32x128xf32, #tpu.memory_space<vmem>>, vector<16xf32>,
      tpu.vector_store %arg7[%swap3A_289, %swap3A_290, %swap3A_291], %gather3A_287 {strides = array<i32>} : memref<2x32x128xf32, #tpu.memory_space<vmem>>, vector<16xf32>,
    }
    %scan3A_76 = arith.constant 32 : i32
    %dma_start3A_77 = arith.constant 0 : i32
    %dma_start3A_78 = arith.constant 48 : i32
    %dma_start3A_79 = arith.constant 0 : i32
    %dma_start3A_80 = arith.constant 0 : i32
    %dma_start3A_81 = tpu.memref_slice %arg7[%dma_start3A_77, %dma_start3A_79, %dma_start3A_80] : memref<2x32x128xf32, #tpu.memory_space<vmem>> -> memref<1x32x128xf32, #tpu.memory_space<vmem>>
    %dma_start3A_82 = tpu.memref_squeeze %dma_start3A_81 : memref<1x32x128xf32, #tpu.memory_space<vmem>> -> memref<32x128xf32, #tpu.memory_space<vmem>>
    %dma_start3A_83 = arith.constant 0 : i32
    %dma_start3A_84 = tpu.memref_slice %arg4[%dma_start3A_78, %dma_start3A_83, %mul3A_2] : memref<50x32x4096xf32, #tpu.memory_space<hbm>> -> memref<1x32x128xf32, #tpu.memory_space<hbm>>
    %dma_start3A_85 = tpu.memref_squeeze %dma_start3A_84 : memref<1x32x128xf32, #tpu.memory_space<hbm>> -> memref<32x128xf32, #tpu.memory_space<hbm>>
    %dma_start3A_86 = arith.constant 0 : i32
    %dma_start3A_87 = tpu.memref_slice %arg4[%dma_start3A_78, %dma_start3A_86, %mul3A_2] : memref<50x32x4096xf32, #tpu.memory_space<hbm>> -> memref<1x32x128xf32, #tpu.memory_space<hbm>>
    %dma_start3A_88 = tpu.memref_squeeze %dma_start3A_87 : memref<1x32x128xf32, #tpu.memory_space<hbm>> -> memref<32x128xf32, #tpu.memory_space<hbm>>
    %dma_start3A_89 = arith.constant 0 : i32
    %dma_start3A_90 = arith.constant 0 : i32
    %dma_start3A_91 = tpu.memref_slice %arg7[%dma_start3A_77, %dma_start3A_89, %dma_start3A_90] : memref<2x32x128xf32, #tpu.memory_space<vmem>> -> memref<1x32x128xf32, #tpu.memory_space<vmem>>
    %dma_start3A_92 = tpu.memref_squeeze %dma_start3A_91 : memref<1x32x128xf32, #tpu.memory_space<vmem>> -> memref<32x128xf32, #tpu.memory_space<vmem>>
    tpu.enqueue_dma source(%dma_start3A_92 : memref<32x128xf32, #tpu.memory_space<vmem>>) target(%dma_start3A_88 : memref<32x128xf32, #tpu.memory_space<hbm>>) target_semaphore(%arg12 : memref<!tpu.dma_semaphore, #tpu.memory_space<semaphore_mem>>)
    %dma_wait3A_93 = arith.constant 1 : i32
    %dma_wait3A_94 = arith.constant 0 : i32
    %dma_wait3A_95 = arith.constant 0 : i32
    %dma_wait3A_96 = tpu.memref_slice %arg6[%dma_wait3A_93, %dma_wait3A_94, %dma_wait3A_95] : memref<4x128x32xf32, #tpu.memory_space<vmem>> -> memref<1x128x32xf32, #tpu.memory_space<vmem>>
    %dma_wait3A_97 = tpu.memref_squeeze %dma_wait3A_96 : memref<1x128x32xf32, #tpu.memory_space<vmem>> -> memref<128x32xf32, #tpu.memory_space<vmem>>
    %dma_wait3A_98 = arith.constant 0 : i32
    %dma_wait3A_99 = arith.constant 0 : i32
    %dma_wait3A_100 = tpu.memref_slice %arg3[%dma_wait3A_98, %dma_wait3A_99] : memref<1000000x32xf32, #tpu.memory_space<hbm>> -> memref<128x32xf32, #tpu.memory_space<hbm>>
    %dma_wait3A_101 = arith.constant 0 : i32
    %dma_wait3A_102 = arith.constant 0 : i32
    %dma_wait3A_103 = tpu.memref_slice %arg6[%dma_wait3A_93, %dma_wait3A_101, %dma_wait3A_102] : memref<4x128x32xf32, #tpu.memory_space<vmem>> -> memref<1x128x32xf32, #tpu.memory_space<vmem>>
    %dma_wait3A_104 = tpu.memref_squeeze %dma_wait3A_103 : memref<1x128x32xf32, #tpu.memory_space<vmem>> -> memref<128x32xf32, #tpu.memory_space<vmem>>
    %dma_wait3A_105 = arith.constant 0 : i32
    %dma_wait3A_106 = arith.constant 0 : i32
    %dma_wait3A_107 = tpu.memref_slice %arg3[%dma_wait3A_105, %dma_wait3A_106] : memref<1000000x32xf32, #tpu.memory_space<hbm>> -> memref<128x32xf32, #tpu.memory_space<hbm>>
    tpu.wait_dma2 semaphore(%arg9 : memref<!tpu.dma_semaphore, #tpu.memory_space<semaphore_mem>>) src(%dma_wait3A_107 : memref<128x32xf32, #tpu.memory_space<hbm>>) dst(%dma_wait3A_104 : memref<128x32xf32, #tpu.memory_space<vmem>>)
    %dma_wait3A_108 = arith.constant 1 : i32
    %dma_wait3A_109 = arith.constant 0 : i32
    %dma_wait3A_110 = arith.constant 0 : i32
    %dma_wait3A_111 = arith.constant 0 : i32
    %dma_wait3A_112 = tpu.memref_slice %arg7[%dma_wait3A_108, %dma_wait3A_110, %dma_wait3A_111] : memref<2x32x128xf32, #tpu.memory_space<vmem>> -> memref<1x32x128xf32, #tpu.memory_space<vmem>>
    %dma_wait3A_113 = tpu.memref_squeeze %dma_wait3A_112 : memref<1x32x128xf32, #tpu.memory_space<vmem>> -> memref<32x128xf32, #tpu.memory_space<vmem>>
    %dma_wait3A_114 = arith.constant 0 : i32
    %dma_wait3A_115 = tpu.memref_slice %arg4[%dma_wait3A_109, %dma_wait3A_114, %mul3A_2] : memref<50x32x4096xf32, #tpu.memory_space<hbm>> -> memref<1x32x128xf32, #tpu.memory_space<hbm>>
    %dma_wait3A_116 = tpu.memref_squeeze %dma_wait3A_115 : memref<1x32x128xf32, #tpu.memory_space<hbm>> -> memref<32x128xf32, #tpu.memory_space<hbm>>
    %dma_wait3A_117 = arith.constant 0 : i32
    %dma_wait3A_118 = tpu.memref_slice %arg4[%dma_wait3A_109, %dma_wait3A_117, %mul3A_2] : memref<50x32x4096xf32, #tpu.memory_space<hbm>> -> memref<1x32x128xf32, #tpu.memory_space<hbm>>
    %dma_wait3A_119 = tpu.memref_squeeze %dma_wait3A_118 : memref<1x32x128xf32, #tpu.memory_space<hbm>> -> memref<32x128xf32, #tpu.memory_space<hbm>>
    %dma_wait3A_120 = arith.constant 0 : i32
    %dma_wait3A_121 = arith.constant 0 : i32
    %dma_wait3A_122 = tpu.memref_slice %arg7[%dma_wait3A_108, %dma_wait3A_120, %dma_wait3A_121] : memref<2x32x128xf32, #tpu.memory_space<vmem>> -> memref<1x32x128xf32, #tpu.memory_space<vmem>>
    %dma_wait3A_123 = tpu.memref_squeeze %dma_wait3A_122 : memref<1x32x128xf32, #tpu.memory_space<vmem>> -> memref<32x128xf32, #tpu.memory_space<vmem>>
    tpu.wait_dma2 semaphore(%arg13 : memref<!tpu.dma_semaphore, #tpu.memory_space<semaphore_mem>>) src(%dma_wait3A_123 : memref<32x128xf32, #tpu.memory_space<vmem>>) dst(%dma_wait3A_119 : memref<32x128xf32, #tpu.memory_space<hbm>>)
    %scan3A_124 = arith.constant 0 : i32
    %scan3A_125 = arith.constant 32 : i32
    %scan3A_126 = arith.addi %scan3A_124, %scan3A_125 : i32
    %scan3A_127 = arith.constant 1 : i32
    scf.for %scan3A_177 = %scan3A_124 to %scan3A_126 step %scan3A_127  : i32 {
      %mul3A_178 = arith.constant 0 : i32
      %mul3A_179 = vector.broadcast %mul3A_178 : i32 to vector<16xi32>
      %mul3A_180 = arith.muli %iota3A, %mul3A_179 : vector<16xi32>
      %add3A_181 = vector.broadcast %scan3A_177 : i32 to vector<16xi32>
      %add3A_182 = arith.addi %mul3A_180, %add3A_181 : vector<16xi32>
      %add3A_183 = arith.constant 0 : i32
      %add3A_184 = vector.broadcast %add3A_183 : i32 to vector<16xi32>
      %add3A_185 = arith.addi %iota3A, %add3A_184 : vector<16xi32>
      %gather3A = arith.constant 1 : i32
      %gather3A_186 = arith.constant 0 : i32
      %gather3A_187 = arith.constant 0 : i32
      %gather3A_188 = tpu.memref_slice %arg6[%gather3A, %gather3A_186, %gather3A_187] : memref<4x128x32xf32, #tpu.memory_space<vmem>> -> memref<1x128x32xf32, #tpu.memory_space<vmem>>
      %gather3A_189 = tpu.memref_squeeze %gather3A_188 : memref<1x128x32xf32, #tpu.memory_space<vmem>> -> memref<128x32xf32, #tpu.memory_space<vmem>>
      %gather3A_190 = tpu.vector_load_idx %gather3A_189[%add3A_185, %add3A_182] : memref<128x32xf32, #tpu.memory_space<vmem>>[vector<16xi32>, vector<16xi32>], vector<16xf32>,
      %swap3A = arith.constant 1 : i32
      %swap3A_191 = arith.index_cast %swap3A : i32 to index
      %swap3A_192 = arith.index_cast %scan3A_177 : i32 to index
      %swap3A_193 = arith.constant 0 : index
      %swap3A_194 = tpu.vector_load %arg7[%swap3A_191, %swap3A_192, %swap3A_193] {strides = array<i32>} : memref<2x32x128xf32, #tpu.memory_space<vmem>>, vector<16xf32>,
      tpu.vector_store %arg7[%swap3A_191, %swap3A_192, %swap3A_193], %gather3A_190 {strides = array<i32>} : memref<2x32x128xf32, #tpu.memory_space<vmem>>, vector<16xf32>,
      %add3A_195 = arith.constant 16 : i32
      %add3A_196 = vector.broadcast %add3A_195 : i32 to vector<16xi32>
      %add3A_197 = arith.addi %iota3A, %add3A_196 : vector<16xi32>
      %gather3A_198 = arith.constant 1 : i32
      %gather3A_199 = arith.constant 0 : i32
      %gather3A_200 = arith.constant 0 : i32
      %gather3A_201 = tpu.memref_slice %arg6[%gather3A_198, %gather3A_199, %gather3A_200] : memref<4x128x32xf32, #tpu.memory_space<vmem>> -> memref<1x128x32xf32, #tpu.memory_space<vmem>>
      %gather3A_202 = tpu.memref_squeeze %gather3A_201 : memref<1x128x32xf32, #tpu.memory_space<vmem>> -> memref<128x32xf32, #tpu.memory_space<vmem>>
      %gather3A_203 = tpu.vector_load_idx %gather3A_202[%add3A_197, %add3A_182] : memref<128x32xf32, #tpu.memory_space<vmem>>[vector<16xi32>, vector<16xi32>], vector<16xf32>,
      %swap3A_204 = arith.constant 1 : i32
      %swap3A_205 = arith.index_cast %swap3A_204 : i32 to index
      %swap3A_206 = arith.index_cast %scan3A_177 : i32 to index
      %swap3A_207 = arith.constant 16 : index
      %swap3A_208 = tpu.vector_load %arg7[%swap3A_205, %swap3A_206, %swap3A_207] {strides = array<i32>} : memref<2x32x128xf32, #tpu.memory_space<vmem>>, vector<16xf32>,
      tpu.vector_store %arg7[%swap3A_205, %swap3A_206, %swap3A_207], %gather3A_203 {strides = array<i32>} : memref<2x32x128xf32, #tpu.memory_space<vmem>>, vector<16xf32>,
      %add3A_209 = arith.constant 32 : i32
      %add3A_210 = vector.broadcast %add3A_209 : i32 to vector<16xi32>
      %add3A_211 = arith.addi %iota3A, %add3A_210 : vector<16xi32>
      %gather3A_212 = arith.constant 1 : i32
      %gather3A_213 = arith.constant 0 : i32
      %gather3A_214 = arith.constant 0 : i32
      %gather3A_215 = tpu.memref_slice %arg6[%gather3A_212, %gather3A_213, %gather3A_214] : memref<4x128x32xf32, #tpu.memory_space<vmem>> -> memref<1x128x32xf32, #tpu.memory_space<vmem>>
      %gather3A_216 = tpu.memref_squeeze %gather3A_215 : memref<1x128x32xf32, #tpu.memory_space<vmem>> -> memref<128x32xf32, #tpu.memory_space<vmem>>
      %gather3A_217 = tpu.vector_load_idx %gather3A_216[%add3A_211, %add3A_182] : memref<128x32xf32, #tpu.memory_space<vmem>>[vector<16xi32>, vector<16xi32>], vector<16xf32>,
      %swap3A_218 = arith.constant 1 : i32
      %swap3A_219 = arith.index_cast %swap3A_218 : i32 to index
      %swap3A_220 = arith.index_cast %scan3A_177 : i32 to index
      %swap3A_221 = arith.constant 32 : index
      %swap3A_222 = tpu.vector_load %arg7[%swap3A_219, %swap3A_220, %swap3A_221] {strides = array<i32>} : memref<2x32x128xf32, #tpu.memory_space<vmem>>, vector<16xf32>,
      tpu.vector_store %arg7[%swap3A_219, %swap3A_220, %swap3A_221], %gather3A_217 {strides = array<i32>} : memref<2x32x128xf32, #tpu.memory_space<vmem>>, vector<16xf32>,
      %add3A_223 = arith.constant 48 : i32
      %add3A_224 = vector.broadcast %add3A_223 : i32 to vector<16xi32>
      %add3A_225 = arith.addi %iota3A, %add3A_224 : vector<16xi32>
      %gather3A_226 = arith.constant 1 : i32
      %gather3A_227 = arith.constant 0 : i32
      %gather3A_228 = arith.constant 0 : i32
      %gather3A_229 = tpu.memref_slice %arg6[%gather3A_226, %gather3A_227, %gather3A_228] : memref<4x128x32xf32, #tpu.memory_space<vmem>> -> memref<1x128x32xf32, #tpu.memory_space<vmem>>
      %gather3A_230 = tpu.memref_squeeze %gather3A_229 : memref<1x128x32xf32, #tpu.memory_space<vmem>> -> memref<128x32xf32, #tpu.memory_space<vmem>>
      %gather3A_231 = tpu.vector_load_idx %gather3A_230[%add3A_225, %add3A_182] : memref<128x32xf32, #tpu.memory_space<vmem>>[vector<16xi32>, vector<16xi32>], vector<16xf32>,
      %swap3A_232 = arith.constant 1 : i32
      %swap3A_233 = arith.index_cast %swap3A_232 : i32 to index
      %swap3A_234 = arith.index_cast %scan3A_177 : i32 to index
      %swap3A_235 = arith.constant 48 : index
      %swap3A_236 = tpu.vector_load %arg7[%swap3A_233, %swap3A_234, %swap3A_235] {strides = array<i32>} : memref<2x32x128xf32, #tpu.memory_space<vmem>>, vector<16xf32>,
      tpu.vector_store %arg7[%swap3A_233, %swap3A_234, %swap3A_235], %gather3A_231 {strides = array<i32>} : memref<2x32x128xf32, #tpu.memory_space<vmem>>, vector<16xf32>,
      %add3A_237 = arith.constant 64 : i32
      %add3A_238 = vector.broadcast %add3A_237 : i32 to vector<16xi32>
      %add3A_239 = arith.addi %iota3A, %add3A_238 : vector<16xi32>
      %gather3A_240 = arith.constant 1 : i32
      %gather3A_241 = arith.constant 0 : i32
      %gather3A_242 = arith.constant 0 : i32
      %gather3A_243 = tpu.memref_slice %arg6[%gather3A_240, %gather3A_241, %gather3A_242] : memref<4x128x32xf32, #tpu.memory_space<vmem>> -> memref<1x128x32xf32, #tpu.memory_space<vmem>>
      %gather3A_244 = tpu.memref_squeeze %gather3A_243 : memref<1x128x32xf32, #tpu.memory_space<vmem>> -> memref<128x32xf32, #tpu.memory_space<vmem>>
      %gather3A_245 = tpu.vector_load_idx %gather3A_244[%add3A_239, %add3A_182] : memref<128x32xf32, #tpu.memory_space<vmem>>[vector<16xi32>, vector<16xi32>], vector<16xf32>,
      %swap3A_246 = arith.constant 1 : i32
      %swap3A_247 = arith.index_cast %swap3A_246 : i32 to index
      %swap3A_248 = arith.index_cast %scan3A_177 : i32 to index
      %swap3A_249 = arith.constant 64 : index
      %swap3A_250 = tpu.vector_load %arg7[%swap3A_247, %swap3A_248, %swap3A_249] {strides = array<i32>} : memref<2x32x128xf32, #tpu.memory_space<vmem>>, vector<16xf32>,
      tpu.vector_store %arg7[%swap3A_247, %swap3A_248, %swap3A_249], %gather3A_245 {strides = array<i32>} : memref<2x32x128xf32, #tpu.memory_space<vmem>>, vector<16xf32>,
      %add3A_251 = arith.constant 80 : i32
      %add3A_252 = vector.broadcast %add3A_251 : i32 to vector<16xi32>
      %add3A_253 = arith.addi %iota3A, %add3A_252 : vector<16xi32>
      %gather3A_254 = arith.constant 1 : i32
      %gather3A_255 = arith.constant 0 : i32
      %gather3A_256 = arith.constant 0 : i32
      %gather3A_257 = tpu.memref_slice %arg6[%gather3A_254, %gather3A_255, %gather3A_256] : memref<4x128x32xf32, #tpu.memory_space<vmem>> -> memref<1x128x32xf32, #tpu.memory_space<vmem>>
      %gather3A_258 = tpu.memref_squeeze %gather3A_257 : memref<1x128x32xf32, #tpu.memory_space<vmem>> -> memref<128x32xf32, #tpu.memory_space<vmem>>
      %gather3A_259 = tpu.vector_load_idx %gather3A_258[%add3A_253, %add3A_182] : memref<128x32xf32, #tpu.memory_space<vmem>>[vector<16xi32>, vector<16xi32>], vector<16xf32>,
      %swap3A_260 = arith.constant 1 : i32
      %swap3A_261 = arith.index_cast %swap3A_260 : i32 to index
      %swap3A_262 = arith.index_cast %scan3A_177 : i32 to index
      %swap3A_263 = arith.constant 80 : index
      %swap3A_264 = tpu.vector_load %arg7[%swap3A_261, %swap3A_262, %swap3A_263] {strides = array<i32>} : memref<2x32x128xf32, #tpu.memory_space<vmem>>, vector<16xf32>,
      tpu.vector_store %arg7[%swap3A_261, %swap3A_262, %swap3A_263], %gather3A_259 {strides = array<i32>} : memref<2x32x128xf32, #tpu.memory_space<vmem>>, vector<16xf32>,
      %add3A_265 = arith.constant 96 : i32
      %add3A_266 = vector.broadcast %add3A_265 : i32 to vector<16xi32>
      %add3A_267 = arith.addi %iota3A, %add3A_266 : vector<16xi32>
      %gather3A_268 = arith.constant 1 : i32
      %gather3A_269 = arith.constant 0 : i32
      %gather3A_270 = arith.constant 0 : i32
      %gather3A_271 = tpu.memref_slice %arg6[%gather3A_268, %gather3A_269, %gather3A_270] : memref<4x128x32xf32, #tpu.memory_space<vmem>> -> memref<1x128x32xf32, #tpu.memory_space<vmem>>
      %gather3A_272 = tpu.memref_squeeze %gather3A_271 : memref<1x128x32xf32, #tpu.memory_space<vmem>> -> memref<128x32xf32, #tpu.memory_space<vmem>>
      %gather3A_273 = tpu.vector_load_idx %gather3A_272[%add3A_267, %add3A_182] : memref<128x32xf32, #tpu.memory_space<vmem>>[vector<16xi32>, vector<16xi32>], vector<16xf32>,
      %swap3A_274 = arith.constant 1 : i32
      %swap3A_275 = arith.index_cast %swap3A_274 : i32 to index
      %swap3A_276 = arith.index_cast %scan3A_177 : i32 to index
      %swap3A_277 = arith.constant 96 : index
      %swap3A_278 = tpu.vector_load %arg7[%swap3A_275, %swap3A_276, %swap3A_277] {strides = array<i32>} : memref<2x32x128xf32, #tpu.memory_space<vmem>>, vector<16xf32>,
      tpu.vector_store %arg7[%swap3A_275, %swap3A_276, %swap3A_277], %gather3A_273 {strides = array<i32>} : memref<2x32x128xf32, #tpu.memory_space<vmem>>, vector<16xf32>,
      %add3A_279 = arith.constant 112 : i32
      %add3A_280 = vector.broadcast %add3A_279 : i32 to vector<16xi32>
      %add3A_281 = arith.addi %iota3A, %add3A_280 : vector<16xi32>
      %gather3A_282 = arith.constant 1 : i32
      %gather3A_283 = arith.constant 0 : i32
      %gather3A_284 = arith.constant 0 : i32
      %gather3A_285 = tpu.memref_slice %arg6[%gather3A_282, %gather3A_283, %gather3A_284] : memref<4x128x32xf32, #tpu.memory_space<vmem>> -> memref<1x128x32xf32, #tpu.memory_space<vmem>>
      %gather3A_286 = tpu.memref_squeeze %gather3A_285 : memref<1x128x32xf32, #tpu.memory_space<vmem>> -> memref<128x32xf32, #tpu.memory_space<vmem>>
      %gather3A_287 = tpu.vector_load_idx %gather3A_286[%add3A_281, %add3A_182] : memref<128x32xf32, #tpu.memory_space<vmem>>[vector<16xi32>, vector<16xi32>], vector<16xf32>,
      %swap3A_288 = arith.constant 1 : i32
      %swap3A_289 = arith.index_cast %swap3A_288 : i32 to index
      %swap3A_290 = arith.index_cast %scan3A_177 : i32 to index
      %swap3A_291 = arith.constant 112 : index
      %swap3A_292 = tpu.vector_load %arg7[%swap3A_289, %swap3A_290, %swap3A_291] {strides = array<i32>} : memref<2x32x128xf32, #tpu.memory_space<vmem>>, vector<16xf32>,
      tpu.vector_store %arg7[%swap3A_289, %swap3A_290, %swap3A_291], %gather3A_287 {strides = array<i32>} : memref<2x32x128xf32, #tpu.memory_space<vmem>>, vector<16xf32>,
    }
    %scan3A_128 = arith.constant 32 : i32
    %dma_start3A_129 = arith.constant 1 : i32
    %dma_start3A_130 = arith.constant 49 : i32
    %dma_start3A_131 = arith.constant 0 : i32
    %dma_start3A_132 = arith.constant 0 : i32
    %dma_start3A_133 = tpu.memref_slice %arg7[%dma_start3A_129, %dma_start3A_131, %dma_start3A_132] : memref<2x32x128xf32, #tpu.memory_space<vmem>> -> memref<1x32x128xf32, #tpu.memory_space<vmem>>
    %dma_start3A_134 = tpu.memref_squeeze %dma_start3A_133 : memref<1x32x128xf32, #tpu.memory_space<vmem>> -> memref<32x128xf32, #tpu.memory_space<vmem>>
    %dma_start3A_135 = arith.constant 0 : i32
    %dma_start3A_136 = tpu.memref_slice %arg4[%dma_start3A_130, %dma_start3A_135, %mul3A_2] : memref<50x32x4096xf32, #tpu.memory_space<hbm>> -> memref<1x32x128xf32, #tpu.memory_space<hbm>>
    %dma_start3A_137 = tpu.memref_squeeze %dma_start3A_136 : memref<1x32x128xf32, #tpu.memory_space<hbm>> -> memref<32x128xf32, #tpu.memory_space<hbm>>
    %dma_start3A_138 = arith.constant 0 : i32
    %dma_start3A_139 = tpu.memref_slice %arg4[%dma_start3A_130, %dma_start3A_138, %mul3A_2] : memref<50x32x4096xf32, #tpu.memory_space<hbm>> -> memref<1x32x128xf32, #tpu.memory_space<hbm>>
    %dma_start3A_140 = tpu.memref_squeeze %dma_start3A_139 : memref<1x32x128xf32, #tpu.memory_space<hbm>> -> memref<32x128xf32, #tpu.memory_space<hbm>>
    %dma_start3A_141 = arith.constant 0 : i32
    %dma_start3A_142 = arith.constant 0 : i32
    %dma_start3A_143 = tpu.memref_slice %arg7[%dma_start3A_129, %dma_start3A_141, %dma_start3A_142] : memref<2x32x128xf32, #tpu.memory_space<vmem>> -> memref<1x32x128xf32, #tpu.memory_space<vmem>>
    %dma_start3A_144 = tpu.memref_squeeze %dma_start3A_143 : memref<1x32x128xf32, #tpu.memory_space<vmem>> -> memref<32x128xf32, #tpu.memory_space<vmem>>
    tpu.enqueue_dma source(%dma_start3A_144 : memref<32x128xf32, #tpu.memory_space<vmem>>) target(%dma_start3A_140 : memref<32x128xf32, #tpu.memory_space<hbm>>) target_semaphore(%arg13 : memref<!tpu.dma_semaphore, #tpu.memory_space<semaphore_mem>>)
    %dma_wait3A_145 = arith.constant 0 : i32
    %dma_wait3A_146 = arith.constant 0 : i32
    %dma_wait3A_147 = arith.constant 0 : i32
    %dma_wait3A_148 = arith.constant 0 : i32
    %dma_wait3A_149 = tpu.memref_slice %arg7[%dma_wait3A_145, %dma_wait3A_147, %dma_wait3A_148] : memref<2x32x128xf32, #tpu.memory_space<vmem>> -> memref<1x32x128xf32, #tpu.memory_space<vmem>>
    %dma_wait3A_150 = tpu.memref_squeeze %dma_wait3A_149 : memref<1x32x128xf32, #tpu.memory_space<vmem>> -> memref<32x128xf32, #tpu.memory_space<vmem>>
    %dma_wait3A_151 = arith.constant 0 : i32
    %dma_wait3A_152 = tpu.memref_slice %arg4[%dma_wait3A_146, %dma_wait3A_151, %mul3A_2] : memref<50x32x4096xf32, #tpu.memory_space<hbm>> -> memref<1x32x128xf32, #tpu.memory_space<hbm>>
    %dma_wait3A_153 = tpu.memref_squeeze %dma_wait3A_152 : memref<1x32x128xf32, #tpu.memory_space<hbm>> -> memref<32x128xf32, #tpu.memory_space<hbm>>
    %dma_wait3A_154 = arith.constant 0 : i32
    %dma_wait3A_155 = tpu.memref_slice %arg4[%dma_wait3A_146, %dma_wait3A_154, %mul3A_2] : memref<50x32x4096xf32, #tpu.memory_space<hbm>> -> memref<1x32x128xf32, #tpu.memory_space<hbm>>
    %dma_wait3A_156 = tpu.memref_squeeze %dma_wait3A_155 : memref<1x32x128xf32, #tpu.memory_space<hbm>> -> memref<32x128xf32, #tpu.memory_space<hbm>>
    %dma_wait3A_157 = arith.constant 0 : i32
    %dma_wait3A_158 = arith.constant 0 : i32
    %dma_wait3A_159 = tpu.memref_slice %arg7[%dma_wait3A_145, %dma_wait3A_157, %dma_wait3A_158] : memref<2x32x128xf32, #tpu.memory_space<vmem>> -> memref<1x32x128xf32, #tpu.memory_space<vmem>>
    %dma_wait3A_160 = tpu.memref_squeeze %dma_wait3A_159 : memref<1x32x128xf32, #tpu.memory_space<vmem>> -> memref<32x128xf32, #tpu.memory_space<vmem>>
    tpu.wait_dma2 semaphore(%arg12 : memref<!tpu.dma_semaphore, #tpu.memory_space<semaphore_mem>>) src(%dma_wait3A_160 : memref<32x128xf32, #tpu.memory_space<vmem>>) dst(%dma_wait3A_156 : memref<32x128xf32, #tpu.memory_space<hbm>>)
    %dma_wait3A_161 = arith.constant 1 : i32
    %dma_wait3A_162 = arith.constant 0 : i32
    %dma_wait3A_163 = arith.constant 0 : i32
    %dma_wait3A_164 = arith.constant 0 : i32
    %dma_wait3A_165 = tpu.memref_slice %arg7[%dma_wait3A_161, %dma_wait3A_163, %dma_wait3A_164] : memref<2x32x128xf32, #tpu.memory_space<vmem>> -> memref<1x32x128xf32, #tpu.memory_space<vmem>>
    %dma_wait3A_166 = tpu.memref_squeeze %dma_wait3A_165 : memref<1x32x128xf32, #tpu.memory_space<vmem>> -> memref<32x128xf32, #tpu.memory_space<vmem>>
    %dma_wait3A_167 = arith.constant 0 : i32
    %dma_wait3A_168 = tpu.memref_slice %arg4[%dma_wait3A_162, %dma_wait3A_167, %mul3A_2] : memref<50x32x4096xf32, #tpu.memory_space<hbm>> -> memref<1x32x128xf32, #tpu.memory_space<hbm>>
    %dma_wait3A_169 = tpu.memref_squeeze %dma_wait3A_168 : memref<1x32x128xf32, #tpu.memory_space<hbm>> -> memref<32x128xf32, #tpu.memory_space<hbm>>
    %dma_wait3A_170 = arith.constant 0 : i32
    %dma_wait3A_171 = tpu.memref_slice %arg4[%dma_wait3A_162, %dma_wait3A_170, %mul3A_2] : memref<50x32x4096xf32, #tpu.memory_space<hbm>> -> memref<1x32x128xf32, #tpu.memory_space<hbm>>
    %dma_wait3A_172 = tpu.memref_squeeze %dma_wait3A_171 : memref<1x32x128xf32, #tpu.memory_space<hbm>> -> memref<32x128xf32, #tpu.memory_space<hbm>>
    %dma_wait3A_173 = arith.constant 0 : i32
    %dma_wait3A_174 = arith.constant 0 : i32
    %dma_wait3A_175 = tpu.memref_slice %arg7[%dma_wait3A_161, %dma_wait3A_173, %dma_wait3A_174] : memref<2x32x128xf32, #tpu.memory_space<vmem>> -> memref<1x32x128xf32, #tpu.memory_space<vmem>>
    %dma_wait3A_176 = tpu.memref_squeeze %dma_wait3A_175 : memref<1x32x128xf32, #tpu.memory_space<vmem>> -> memref<32x128xf32, #tpu.memory_space<vmem>>
    tpu.wait_dma2 semaphore(%arg13 : memref<!tpu.dma_semaphore, #tpu.memory_space<semaphore_mem>>) src(%dma_wait3A_176 : memref<32x128xf32, #tpu.memory_space<vmem>>) dst(%dma_wait3A_172 : memref<32x128xf32, #tpu.memory_space<hbm>>)
    return
  }
}

</mosaic_0001>

<sc_bundles>
// kernel: kernel.3.cloned.1.call-start
scs
__scs_entry_jumppad:
0x0: {  	(pc) =	sbr.rel $0x88, $3  }
0x1: {  	(tag) =	ssettag $0x0;
	lr =	simm.s32 $0x1  }
0x2: {  	[smem:$0x3F9F] =	sst lr;
	_ =	strace $0xD0000000  }
0x3: {  	_ = 	snop  }
0x4: {  	_ = 	snop  }
0x5: {  	_ = 	snop  }
0x6: {  	_ = 	snop  }
0x7: {  	_ = 	snop  }
__scs_overlays_trampoline_lowered:
0x8: {  	[smem:$0x3FAE] =	sst s0  }
0x9: {  	[smem:$0x3FAF] =	sst s1  }
0xa: {  	[smem:$0x3FB0] =	sst s2  }
0xb: {  	[smem:$0x3FB1] =	sst s3  }
0xc: {  	[smem:$0x3FB2] =	sst s4  }
0xd: {  	[smem:$0x3FB3] =	sst s5  }
0xe: {  	[smem:$0x3FB4] =	sst s6  }
0xf: {  	[smem:$0x3FB5] =	sst s7  }
0x10: {  	[smem:$0x3FB6] =	sst s8  }
0x11: {  	[smem:$0x3FB7] =	sst s9;
	s0 =	simm.s32 @!p0 $0x0  }
0x12: {  	s1 =	sld [smem:$0x3F9D];
	s0 =	simm.s32 @p0 $0x1  }
0x13: {  	[smem:$0x3FB8] =	sst s0;
	s0 =	simm.s32 @!p1 $0x0  }
0x14: {  	s2 =	sld [smem:$0x3F9C];
	s0 =	simm.s32 @p1 $0x1  }
0x15: {  	[smem:$0x3FB9] =	sst s0;
	s0 =	simm.s32 @!p2 $0x0  }
0x16: {  	s3 =	sld [smem:$0x3FDB];
	s0 =	simm.s32 @p2 $0x1  }
0x17: {  	s4 =	simm.s32 $0x1BF5;
	[smem:$0x3FBB] =	sst s0  }
0x18: {  	s0 =	sld [smem:$0x3F9E];
	_ =	swait.ge [sflag:s4], $0x0  }
0x19: {  	s7 =	sld [smem:$0x3F9F]  }
0x1a: {  	s8 =	sadd.s32 $0xFFFFE003, lr  }
0x1b: {  	s9 =	sadd.s32 $0xFFFFFEF7, lr;
	s5 =	simm.s32 $0xFFFFFFFF;
	p2 =	slt.u32 s8, $0xFFFFF086  }
0x1c: {  	p1 =	slt.u32 s9, $0xF7A;
	s5 =	simm.s32 @!p2 $0x0  }
0x1d: {  	s5 =	simm.s32 @p1 $0x1;
	p0 =	seq.s32 s7, s2  }
0x1e: {  	s7 =	smul.u32 @!p0 $0xF7A, s2;
	p2 =	seq.s32 @!p0 s5, $0x0  }
0x1f: {  	s9 =	smul.u32 $0xF7A, s1;
	s8 =	simm.s32 @!p0 $0x1BF5;
	p2 =	por !p2, p0  }
0x20: {  	[sflag:s8] =	ssyncset.s32 @!p0 $0xFFFFF086;
	s6 =	sadd.s32 @!p0 s3, s7;
	s7 =	simm.s32 @!p0 $0x108  }
0x21: {  	s3 =	sadd.s32 s3, s9;
	s6 =	sadd.s32 @!p0 $0x88, s6;
	s7 =	simm.s32 @p2 $0x1082  }
0x22: {  	[simem:s7], [sflag:s8] =	dma.local @!p0 [hbm:s6], $0xF7A  }
0x23: {  	s9 =	sor.u32 $0xD0000000, s2;
	s6 =	simm.s32 $0x108;
	_ =	swait.ge @!p0 [sflag:s8], $0x0  }
0x24: {  	s3 =	sadd.s32 $0x88, s3;
	s6 =	simm.s32 @!p1 $0x1082;
	[sflag:s4] =	ssyncset.s32 $0xFFFFF086  }
0x25: {  	[simem:s6], [sflag:s4] =	dma.local [hbm:s3], $0xF7A  }
0x26: {  	[smem:$0x3F9F] =	sst s1;
	(tag) =	ssettag s2;
	_ =	strace s9  }
0x27: {  	s1 =	sld [smem:$0x3FAF]  }
0x28: {  	s2 =	sld [smem:$0x3FB0]  }
0x29: {  	s4 =	sld [smem:$0x3FB2]  }
0x2a: {  	p0 =	seq.s32 s5, $0x0;
	s5 =	sld [smem:$0x3FB3]  }
0x2b: {  	s6 =	sld [smem:$0x3FB4]  }
0x2c: {  	s7 =	sld [smem:$0x3FB5]  }
0x2d: {  	s3 =	simm.s32 $0x108;
	s8 =	sld [smem:$0x3FB6]  }
0x2e: {  	s3 =	simm.s32 @!p0 $0x1082;
	s9 =	sld [smem:$0x3FB7]  }
0x2f: {  	lr =	sadd.s32 s0, s3;
	s0 =	sld [smem:$0x3FAE]  }
0x30: {  	s3 =	sld [smem:$0x3FB1]  }
0x31: {  	[smem:$0x3FBA] =	sst s10  }
0x32: {  	s10 =	sld [smem:$0x3FB8];
	_ =	sdelay $0x3  }
0x33: {  	p0 =	seq.s32 s10, $0x1;
	s10 =	sld [smem:$0x3FBA];
	_ =	sdelay $0x3  }
0x34: {  	[smem:$0x3FBA] =	sst s10  }
0x35: {  	s10 =	sld [smem:$0x3FB9];
	_ =	sdelay $0x3  }
0x36: {  	p1 =	seq.s32 s10, $0x1;
	s10 =	sld [smem:$0x3FBA];
	_ =	sdelay $0x3  }
0x37: {  	[smem:$0x3FBA] =	sst s10  }
0x38: {  	s10 =	sld [smem:$0x3FBB]  }
0x39: {  	_ = 	snop;
	(pc) =	sbr.ind lr, $3  }
0x3a: {  	_ = 	snop  }
0x3b: {  	_ = 	snop  }
0x3c: {  	p2 =	seq.s32 s10, $0x1;
	s10 =	sld [smem:$0x3FBA]  }
0x3d: {  	_ =	shalt  }
0x3e: {  	_ =	shalt  }
0x3f: {  	_ =	shalt  }
0x40: {  	_ =	shalt  }
0x41: {  	_ =	shalt  }
0x42: {  	_ =	shalt  }
0x43: {  	_ =	shalt  }
0x44: {  	_ =	shalt  }
0x45: {  	_ =	shalt  }
0x46: {  	_ =	shalt  }
0x47: {  	_ =	shalt  }
0x48: {  	_ =	shalt  }
0x49: {  	_ =	shalt  }
0x4a: {  	_ =	shalt  }
0x4b: {  	_ =	shalt  }
0x4c: {  	_ =	shalt  }
0x4d: {  	_ =	shalt  }
0x4e: {  	_ =	shalt  }
0x4f: {  	_ =	shalt  }
0x50: {  	_ =	shalt  }
0x51: {  	_ =	shalt  }
0x52: {  	_ =	shalt  }
0x53: {  	_ =	shalt  }
0x54: {  	_ =	shalt  }
0x55: {  	_ =	shalt  }
0x56: {  	_ =	shalt  }
0x57: {  	_ =	shalt  }
0x58: {  	_ =	shalt  }
0x59: {  	_ =	shalt  }
0x5a: {  	_ =	shalt  }
0x5b: {  	_ =	shalt  }
0x5c: {  	_ =	shalt  }
0x5d: {  	_ =	shalt  }
0x5e: {  	_ =	shalt  }
0x5f: {  	_ =	shalt  }
0x60: {  	_ =	shalt  }
0x61: {  	_ =	shalt  }
0x62: {  	_ =	shalt  }
0x63: {  	_ =	shalt  }
0x64: {  	_ =	shalt  }
0x65: {  	_ =	shalt  }
0x66: {  	_ =	shalt  }
0x67: {  	_ =	shalt  }
0x68: {  	_ =	shalt  }
0x69: {  	_ =	shalt  }
0x6a: {  	_ =	shalt  }
0x6b: {  	_ =	shalt  }
0x6c: {  	_ =	shalt  }
0x6d: {  	_ =	shalt  }
0x6e: {  	_ =	shalt  }
0x6f: {  	_ =	shalt  }
0x70: {  	_ =	shalt  }
0x71: {  	_ =	shalt  }
0x72: {  	_ =	shalt  }
0x73: {  	_ =	shalt  }
0x74: {  	_ =	shalt  }
0x75: {  	_ =	shalt  }
0x76: {  	_ =	shalt  }
0x77: {  	_ =	shalt  }
0x78: {  	_ =	shalt  }
0x79: {  	_ =	shalt  }
0x7a: {  	_ =	shalt  }
0x7b: {  	_ =	shalt  }
0x7c: {  	_ =	shalt  }
0x7d: {  	_ =	shalt  }
0x7e: {  	_ =	shalt  }
0x7f: {  	_ =	shalt  }
0x80: {  	_ =	shalt  }
0x81: {  	_ =	shalt  }
0x82: {  	_ =	shalt  }
0x83: {  	_ =	shalt  }
0x84: {  	_ =	shalt  }
0x85: {  	_ =	shalt  }
0x86: {  	_ =	shalt  }
0x87: {  	_ =	shalt  }
.Lfunc_end0:
.L_simem_size_0:
called_computation_lowered:
.L_overlay_start_0:
0x88: {  	s2 =	sld [smem:$0x3FD9]  }
0x89: {  	s3 =	sld [smem:$0x3FFE];
	_ =	sdelay $0x1  }
0x8a: {  	s1 =	srdreg.scid  }
0x8b: {  	s0 =	sand.u32 $0x1, s1  }
0x8c: {  	s17 =	sshll.u32 s0, $0xA;
	s2 =	sadd.s32 s3, s2  }
0x8d: {  	s2 =	sadd.s32 s2, s17  }
0x8e: {  	[smem:$0x3FC6] =	sst s2  }
0x8f: {  	_ = 	snop  }
0x90: {  	s2 =	sld [smem:$0x3FD0];
	(tm) =	ssettm $0x1  }
0x91: {  	s18 =	sld [smem:$0x3FFB];
	_ =	sdelay $0x3  }
0x92: {  	_ =	strace s18  }
0x93: {  	s3 =	sld [smem:$0x3FFC];
	_ =	sdelay $0x3  }
0x94: {  	_ =	strace s3  }
0x95: {  	s3 =	sld [smem:$0x3FFD];
	_ =	sdelay $0x3  }
0x96: {  	_ =	strace s3  }
0x97: {  	_ =	strace $0x8FFFFFFF  }
0x98: {  	s19 =	sld [smem:$0x3FDB];
	_ =	sdelay $0x1  }
0x99: {  	s4 =	simm.s32 $_scs_section_size  }
0x9a: {  	s5 =	simm.s32 $_size__tile_overlayer_lowered;
	s6 =	simm.s32 $_tile_overlayer_lowered  }
0x9b: {  	s22 =	simm.s32 $0x1BFF;
	s21 =	sshll.u32 s6, $0x1;
	s3 =	sadd.s32 s4, s19  }
0x9c: {  	s7 =	simm.s32 $0x0;
	s20 =	sshll.u32 s5, $0x1;
	s5 =	sadd.s32 s21, s3  }
0x9d: {  	[timem:s7], [sflag:s22] =	dma.local [hbm:s5], s20  }
0x9e: {  	_ =	swait.ge [sflag:s22], s20  }
0x9f: {  	s4 =	ssub.s32 $0x0, s20;
	[sflag:s22] =	ssyncset.done $0x0  }
0xa0: {  	[sflag:s22] =	ssyncadd.s32 s4;
	_ =	sdelay $0x1  }
0xa1: {  	s23 =	simm.s32 $0x1B8B  }
0xa2: {  	_ =	swait.ge [sflag:s23], $0x1  }
0xa3: {  	[sflag:s23] =	ssyncset.done $0x0  }
0xa4: {  	s25 =	simm.s32 $0x1B8E;
	s24 =	sld [smem:$0x3FFE];
	[sflag:s23] =	ssyncadd.s32 $0xFFFFFFFF  }
0xa5: {  	s26 =	simm.s32 $execute0_lowered;
	[smem:$0x3FD2] =	sst s25  }
0xa6: {  	s5 =	sshll.u32 s26, $0x1;
	_ =	strace $0x80000046;
	[dreg:$0x1] =	wrdreg $0xFFFFFFFF  }
0xa7: {  	s28 =	simm.s32 $_size_execute0_lowered;
	s3 =	sadd.s32 s3, s5;
	[dreg:$0x0] =	wrdreg $0x0  }
0xa8: {  	s5 =	sshll.u32 s28, $0x1;
	[dreg:$0x2] =	wrdreg s3  }
0xa9: {  	[dreg:$0x3] =	wrdreg s5  }
0xaa: {  	[dreg:$0x4] =	wrdreg $0xC0  }
0xab: {  	_ =	task [dreg:s7], $0x5FFFF  }
0xac: {  	[dreg:$0x1] =	wrdreg $0xFFFFFFFF  }
0xad: {  	[dreg:$0x0] =	wrdreg $0x60  }
0xae: {  	[dreg:$0x2] =	wrdreg s2  }
0xaf: {  	[dreg:$0x3] =	wrdreg s24  }
0xb0: {  	[dreg:$0x4] =	wrdreg $0x9  }
0xb1: {  	_ =	task.clear_ibuf [dreg:s7], $0x5FFFF;
	_ =	strace $0x90000046  }
0xb2: {  	s29 =	simm.s32 $0x9;
	_ =	strace $0x80000048  }
0xb3: {  	_ =	swait.ge [sflag:s29], $0x1  }
0xb4: {  	[sflag:s29] =	ssyncadd.s32 $0xFFFFFFFF  }
0xb5: {  	_ =	strace $0x90000048  }
0xb6: {  	_ =	sfence  }
0xb7: {  	s30 =	sld [smem:$0x0];
	_ =	sdelay $0x2  }
0xb8: {  	s31 =	sshll.u32 s1, $0xD;
	s1 =	sshrl.u32 s1, $0x2  }
0xb9: {  	s3 =	sand.u32 $0x4000, s31;
	s1 =	sadd.s32 s1, s30  }
0xba: {  	s0 =	sor.u32 s3, s0;
	s1 =	sshll.u32 s1, $0x11  }
0xbb: {  	s0 =	sor.u32 s1, s0  }
0xbc: {  	s0 =	sadd.s32 $0x8F2B, s0  }
0xbd: {  	[sflag:s0] =	ssyncadd.remote.s32 $0x1  }
0xbe: {  	_ =	sfence.sel $0xFFFF  }
0xbf: {  	[dreg:$0x0] =	wrdreg $0xFFFFFFFF;
	(pc) =	sbr.abs _section_cstart, $3  }
0xc0: {  	[dreg:$0x1] =	wrdreg $0xFFFFFFFF  }
0xc1: {  	_ =	task.clear_ibuf [dreg:s7], $0x2FFFF;
	_ =	strace $0x9FFFFFFF  }
0xc2: {  	(tm) =	ssettm $0x7FFFFFFF  }
0xc3: {  	_ =	shalt  }
tec
execute0_lowered:
.L_overlay_start_1:
0x0: {  	(tag) =	ssettag $0x1  }
0x1: {  	s0 =	rddreg [dreg:$0x0]  }
0x2: {  	s1 =	rddreg [dreg:$0x1];
	s2 =	simm.s32 $0x0;
	s26 =	srdreg.scid  }
0x3: {  	s3 =	stileid.u32;
	s12 =	simm.s32 $0x80;
	s13 =	simm.s32 $0x1000  }
0x4: {  	s14 =	simm.s32 $0x7;
	s15 =	simm.s32 $0x1900;
	s16 =	simm.s32 $0x2900  }
0x5: {  	s18 =	simm.s32 $0x3900;
	s19 =	simm.s32 $0x4900;
	s20 =	simm.s32 $0x1  }
0x6: {  	s21 =	simm.s32 $0x5900;
	s22 =	simm.s32 $0x2;
	s23 =	simm.s32 $0x6900  }
0x7: {  	s24 =	simm.s32 $0x3;
	s25 =	simm.s32 $0x5;
	s28 =	simm.s32 $0x6  }
0x8: {  	s29 =	simm.s32 $0x0;
	[smem:$0x7FF] =	sst s2;
	s2 =	sand.u32 $0x1, s26  }
0x9: {  	v0 =	vlaneseq.u32;
	s4 =	sshll.u32 s3, $0x8;
	s3 =	sadd.s32 $0xF42A00, s1;
	s5 =	sadd.s32 $0x600, s1  }
0xa: {  	v0 =	vmul.u32 $0x20, v0;
	s26 =	simm.s32 $0x4;
	s6 =	ssub.s32 $0x2, s2;
	s2 =	sshll.u32 s2, $0x7  }
0xb: {  	_ =	strace $0x80000047;
	s7 =	sshrl.u32 s6, $0x1;
	s4 =	sor.u32 s2, s4  }
0xc: {  	v1 =	vor.u32 $0x200, v0;
	s30 =	ssub.s32 s6, s7;
	s8 =	sshrl.u32 s4, $0x3;
	s7 =	sadd.s32 $0x4600, s1  }
0xd: {  	v2 =	vor.u32 $0x400, v0;
	v3 =	vor.u32 $0x600, v0;
	v4 =	vor.u32 $0x800, v0;
	s6 =	sadd.s32 s0, s8;
	s31 =	sadd.s32 s8, s5;
	s8 =	sadd.s32 $0x8600, s1  }
0xe: {  	v5 =	vor.u32 $0xA00, v0;
	v6 =	vor.u32 $0xC00, v0;
	v7 =	vor.u32 $0xE00, v0;
	s11 =	smax.u32 s30, $0x1;
	s9 =	sadd.s32 $0xC0000, s31;
	s10 =	sadd.s32 $0xC4000, s31  }
.LBB2_1:
0xf: {  	s0 =	simm.s32 $0x0  }
0x10: {  	[tilespmem:s0], [sflag:$0x7] =	stream.strided.gather [hbm4b:s6+s12], $0x1900, s13, s12, $0x38;
	[tilespmem:$0x7900] =	vst v63  }
0x11: {  	_ =	swait.ge [sflag:s14], $0x1900  }
0x12: {  	[sflag:s14] =	ssyncset.done $0x0  }
0x13: {  	[sflag:s14] =	ssyncadd.s32 $0xFFFFE700  }
0x14: {  	[tilespmem:s15], [sflag:$0x1] =	stream.indirect.gather [hbm4b:s3+s12], $0x20, s0, s12, $0xb8;
	[tilespmem:$0x7900] =	vst v63  }
0x15: {  	_ = 	snop  }
0x16: {  	[tilespmem:s16], [sflag:$0x2] =	stream.indirect.gather [hbm4b:s3+s12], $0x20, s12, s12, $0xb8;
	[tilespmem:$0x7900] =	vst v63  }
0x17: {  	s31 =	simm.s32 $0x100;
	s30 =	simm.s32 $0x0  }
0x18: {  	[tilespmem:s18], [sflag:$0x3] =	stream.indirect.gather [hbm4b:s3+s12], $0x20, s31, s12, $0xb8;
	[tilespmem:$0x7900] =	vst v63  }
.LBB2_2:
0x19: {  	s31 =	sshllo.u32 s30, $0x2;
	s0 =	simm.s32 $0x0  }
0x1a: {  	s1 =	sshll.u32 s31, $0x7;
	v8 =	vmov s0  }
0x1b: {  	s2 =	sand.u32 $0x3FFFFF80, s1;
	v8 =	vand.u32 $0x1F, v8  }
0x1c: {  	[tilespmem:s19], [sflag:$0x4] =	stream.indirect.gather [hbm4b:s3+s12], $0x20, s2, s12, $0xb8;
	v8 =	vbroadcast v8, $0x0;
	[tilespmem:$0x7900] =	vst v63  }
0x1d: {  	_ =	swait.ge [sflag:s20], $0x1000  }
0x1e: {  	p0 =	seq.s32 s30, $0x0;
	[sflag:s20] =	ssyncset.done $0x0;
	v9 =	vor.u32 v0, v8  }
0x1f: {  	s0 =	simm.s32 @!p0 $0x5;
	[sflag:s20] =	ssyncadd.s32 $0xFFFFF000  }
0x20: {  	_ =	swait.ge @!p0 [sflag:s0], $0x1000  }
0x21: {  	[sflag:s0] =	ssyncset.done @!p0 $0x0  }
0x22: {  	[sflag:s0] =	ssyncadd.s32 @!p0 $0xFFFFF000  }
0x23: {  	v9 =	vld.idx.msk [tilespmem:v9+s15+$0x0], $0xffff  }
0x24: {  	v10 =	vor.u32 v1, v8;
	_ =	sdelay $0x2  }
0x25: {  	s0 =	simm.s32 $0x5940  }
0x26: {  	[tilespmem:s0+$0xFFFFFFC0] =	vst v9  }
0x27: {  	v9 =	vld.idx.msk [tilespmem:v10+s15+$0x0], $0xffff  }
0x28: {  	v10 =	vor.u32 v2, v8;
	_ =	sdelay $0x3  }
0x29: {  	[tilespmem:s0+$0xFFFFFFD0] =	vst v9  }
0x2a: {  	v9 =	vld.idx.msk [tilespmem:v10+s15+$0x0], $0xffff  }
0x2b: {  	v10 =	vor.u32 v3, v8;
	_ =	sdelay $0x3  }
0x2c: {  	[tilespmem:s0+$0xFFFFFFE0] =	vst v9  }
0x2d: {  	v9 =	vld.idx.msk [tilespmem:v10+s15+$0x0], $0xffff  }
0x2e: {  	v10 =	vor.u32 v4, v8;
	_ =	sdelay $0x3  }
0x2f: {  	[tilespmem:s0+$0xFFFFFFF0] =	vst v9  }
0x30: {  	v9 =	vld.idx.msk [tilespmem:v10+s15+$0x0], $0xffff  }
0x31: {  	v10 =	vor.u32 v5, v8;
	_ =	sdelay $0x3  }
0x32: {  	[tilespmem:s0+$0x0] =	vst v9  }
0x33: {  	v9 =	vld.idx.msk [tilespmem:v10+s15+$0x0], $0xffff  }
0x34: {  	v10 =	vor.u32 v6, v8;
	_ =	sdelay $0x3  }
0x35: {  	[tilespmem:s0+$0x10] =	vst v9  }
0x36: {  	v9 =	vld.idx.msk [tilespmem:v10+s15+$0x0], $0xffff  }
0x37: {  	v8 =	vor.u32 v7, v8;
	_ =	sdelay $0x1  }
0x38: {  	s17 =	simm.s32 $0x1  }
0x39: {  	s1 =	simm.s32 $0x2;
	v10 =	vmov s17  }
.LBB2_3:
0x3a: {  	p1 =	sne.s32 s1, $0x1F;
	v10 =	vand.u32 $0x1F, v10;
	[tilespmem:s0+$0x20] =	vst v9  }
0x3b: {  	v10 =	vbroadcast v10, $0x0;
	v8 =	vld.idx.msk [tilespmem:v8+s15+$0x0], $0xffff;
	_ =	sdelay $0x1  }
0x3c: {  	v9 =	vor.u32 v0, v10;
	_ =	sdelay $0x3  }
0x3d: {  	[tilespmem:s0+$0x30] =	vst v8  }
0x3e: {  	v8 =	vld.idx.msk [tilespmem:v9+s15+$0x0], $0xffff;
	_ =	sdelay $0x1  }
0x3f: {  	v9 =	vor.u32 v1, v10;
	_ =	sdelay $0x2  }
0x40: {  	s0 =	sadd.s32 $0x80, s0  }
0x41: {  	[tilespmem:s0+$0xFFFFFFC0] =	vst v8  }
0x42: {  	v8 =	vld.idx.msk [tilespmem:v9+s15+$0x0], $0xffff;
	_ =	sdelay $0x1  }
0x43: {  	v9 =	vor.u32 v2, v10;
	_ =	sdelay $0x3  }
0x44: {  	[tilespmem:s0+$0xFFFFFFD0] =	vst v8  }
0x45: {  	v8 =	vld.idx.msk [tilespmem:v9+s15+$0x0], $0xffff;
	_ =	sdelay $0x1  }
0x46: {  	v9 =	vor.u32 v3, v10;
	_ =	sdelay $0x3  }
0x47: {  	[tilespmem:s0+$0xFFFFFFE0] =	vst v8  }
0x48: {  	v8 =	vld.idx.msk [tilespmem:v9+s15+$0x0], $0xffff;
	_ =	sdelay $0x1  }
0x49: {  	v9 =	vor.u32 v4, v10;
	_ =	sdelay $0x3  }
0x4a: {  	[tilespmem:s0+$0xFFFFFFF0] =	vst v8  }
0x4b: {  	v8 =	vld.idx.msk [tilespmem:v9+s15+$0x0], $0xffff;
	_ =	sdelay $0x1  }
0x4c: {  	v9 =	vor.u32 v5, v10;
	_ =	sdelay $0x3  }
0x4d: {  	[tilespmem:s0+$0x0] =	vst v8  }
0x4e: {  	v8 =	vld.idx.msk [tilespmem:v9+s15+$0x0], $0xffff;
	_ =	sdelay $0x1  }
0x4f: {  	v9 =	vor.u32 v6, v10;
	_ =	sdelay $0x3  }
0x50: {  	[tilespmem:s0+$0x10] =	vst v8  }
0x51: {  	v9 =	vld.idx.msk [tilespmem:v9+s15+$0x0], $0xffff  }
.Ltmp0:
0x52: {  	(pc) =	sbr.rel @p1 .LBB2_3-.Ltmp0, $2  }
0x53: {  	v8 =	vor.u32 v7, v10;
	_ =	sdelay $0x2  }
0x54: {  	v10 =	vmov s1;
	s1 =	sadd.s32 $0x1, s1  }
0x55: {  	_ =	sdelay $0x1  }
0x56: {  	v10 =	vand.u32 $0x1F, v10  }
0x57: {  	[tilespmem:s0+$0x20] =	vst v9;
	v9 =	vbroadcast v10, $0x0  }
0x58: {  	v8 =	vld.idx.msk [tilespmem:v8+s15+$0x0], $0xffff  }
0x59: {  	v10 =	vor.u32 v0, v9;
	_ =	sdelay $0x3  }
0x5a: {  	[tilespmem:s0+$0x30] =	vst v8  }
0x5b: {  	v8 =	vld.idx.msk [tilespmem:v10+s15+$0x0], $0xffff  }
0x5c: {  	v10 =	vor.u32 v1, v9;
	_ =	sdelay $0x2  }
0x5d: {  	s1 =	sadd.s32 $0x80, s0  }
0x5e: {  	[tilespmem:s1+$0xFFFFFFC0] =	vst v8  }
0x5f: {  	v8 =	vld.idx.msk [tilespmem:v10+s15+$0x0], $0xffff  }
0x60: {  	v10 =	vor.u32 v2, v9;
	_ =	sdelay $0x3  }
0x61: {  	[tilespmem:s1+$0xFFFFFFD0] =	vst v8  }
0x62: {  	v8 =	vld.idx.msk [tilespmem:v10+s15+$0x0], $0xffff  }
0x63: {  	v10 =	vor.u32 v3, v9;
	_ =	sdelay $0x3  }
0x64: {  	[tilespmem:s1+$0xFFFFFFE0] =	vst v8  }
0x65: {  	v8 =	vld.idx.msk [tilespmem:v10+s15+$0x0], $0xffff  }
0x66: {  	v10 =	vor.u32 v4, v9;
	_ =	sdelay $0x3  }
0x67: {  	[tilespmem:s1+$0xFFFFFFF0] =	vst v8  }
0x68: {  	v8 =	vld.idx.msk [tilespmem:v10+s15+$0x0], $0xffff  }
0x69: {  	v10 =	vor.u32 v5, v9;
	_ =	sdelay $0x3  }
0x6a: {  	[tilespmem:s1+$0x0] =	vst v8  }
0x6b: {  	v8 =	vld.idx.msk [tilespmem:v10+s15+$0x0], $0xffff  }
0x6c: {  	v10 =	vor.u32 v6, v9;
	_ =	sdelay $0x3  }
0x6d: {  	[tilespmem:s1+$0x10] =	vst v8  }
0x6e: {  	v8 =	vld.idx.msk [tilespmem:v10+s15+$0x0], $0xffff  }
0x6f: {  	v9 =	vor.u32 v7, v9;
	_ =	sdelay $0x3  }
0x70: {  	[tilespmem:s1+$0x20] =	vst v8  }
0x71: {  	v8 =	vld.idx.msk [tilespmem:v9+s15+$0x0], $0xffff;
	_ =	sdelay $0x1  }
0x72: {  	s17 =	sshll.u32 s30, $0x13  }
0x73: {  	s0 =	sor.u32 s4, s17  }
0x74: {  	s0 =	sshrl.u32 s0, $0x3  }
0x75: {  	s2 =	sadd.s32 s5, s0;
	[tilespmem:s1+$0x30] =	vst v8  }
0x76: {  	[hbm4b:s2+s12] =	stream.strided.scatter [tilespmem:s21], [sflag:$0x5], $0x1000, s13, s12, $0x38;
	[tilespmem:$0x7900] =	vst v63  }
0x77: {  	s17 =	sshll.u32 s30, $0x9;
	s2 =	simm.s32 $0x0  }
0x78: {  	s1 =	sand.u32 $0x3FFFFE00, s17;
	v8 =	vmov s2  }
0x79: {  	s17 =	sadd.s32 $0x200, s1;
	v8 =	vand.u32 $0x1F, v8  }
0x7a: {  	[tilespmem:s15], [sflag:$0x1] =	stream.indirect.gather [hbm4b:s3+s12], $0x20, s17, s12, $0xb8;
	v8 =	vbroadcast v8, $0x0;
	[tilespmem:$0x7900] =	vst v63  }
0x7b: {  	_ =	swait.ge [sflag:s22], $0x1000  }
0x7c: {  	[sflag:s22] =	ssyncset.done $0x0;
	v9 =	vor.u32 v0, v8  }
0x7d: {  	s2 =	simm.s32 @!p0 $0x6;
	[sflag:s22] =	ssyncadd.s32 $0xFFFFF000  }
0x7e: {  	_ =	swait.ge @!p0 [sflag:s2], $0x1000  }
0x7f: {  	[sflag:s2] =	ssyncset.done @!p0 $0x0  }
0x80: {  	[sflag:s2] =	ssyncadd.s32 @!p0 $0xFFFFF000  }
0x81: {  	v9 =	vld.idx.msk [tilespmem:v9+s16+$0x0], $0xffff  }
0x82: {  	v10 =	vor.u32 v1, v8;
	_ =	sdelay $0x2  }
0x83: {  	s17 =	simm.s32 $0x6970  }
0x84: {  	[tilespmem:s17+$0xFFFFFF90] =	vst v9  }
0x85: {  	v9 =	vld.idx.msk [tilespmem:v10+s16+$0x0], $0xffff  }
0x86: {  	v10 =	vor.u32 v2, v8;
	_ =	sdelay $0x3  }
0x87: {  	[tilespmem:s17+$0xFFFFFFA0] =	vst v9  }
0x88: {  	v9 =	vld.idx.msk [tilespmem:v10+s16+$0x0], $0xffff  }
0x89: {  	v10 =	vor.u32 v3, v8;
	_ =	sdelay $0x3  }
0x8a: {  	[tilespmem:s17+$0xFFFFFFB0] =	vst v9  }
0x8b: {  	v9 =	vld.idx.msk [tilespmem:v10+s16+$0x0], $0xffff  }
0x8c: {  	v10 =	vor.u32 v4, v8;
	_ =	sdelay $0x3  }
0x8d: {  	[tilespmem:s17+$0xFFFFFFC0] =	vst v9  }
0x8e: {  	v9 =	vld.idx.msk [tilespmem:v10+s16+$0x0], $0xffff  }
0x8f: {  	v10 =	vor.u32 v5, v8;
	_ =	sdelay $0x3  }
0x90: {  	[tilespmem:s17+$0xFFFFFFD0] =	vst v9  }
0x91: {  	v9 =	vld.idx.msk [tilespmem:v10+s16+$0x0], $0xffff  }
0x92: {  	v10 =	vor.u32 v6, v8;
	_ =	sdelay $0x3  }
0x93: {  	[tilespmem:s17+$0xFFFFFFE0] =	vst v9  }
0x94: {  	v9 =	vld.idx.msk [tilespmem:v10+s16+$0x0], $0xffff  }
0x95: {  	v8 =	vor.u32 v7, v8;
	_ =	sdelay $0x1  }
0x96: {  	s2 =	simm.s32 $0x1  }
0x97: {  	v10 =	vmov s2;
	s2 =	simm.s32 $0x2  }
.LBB2_5:
0x98: {  	p0 =	sne.s32 s2, $0x1F;
	v10 =	vand.u32 $0x1F, v10;
	[tilespmem:s17+$0xFFFFFFF0] =	vst v9  }
0x99: {  	v10 =	vbroadcast v10, $0x0;
	v8 =	vld.idx.msk [tilespmem:v8+s16+$0x0], $0xffff;
	_ =	sdelay $0x1  }
0x9a: {  	v9 =	vor.u32 v0, v10;
	_ =	sdelay $0x3  }
0x9b: {  	[tilespmem:s17+$0x0] =	vst v8  }
0x9c: {  	v8 =	vld.idx.msk [tilespmem:v9+s16+$0x0], $0xffff;
	_ =	sdelay $0x1  }
0x9d: {  	v9 =	vor.u32 v1, v10;
	_ =	sdelay $0x2  }
0x9e: {  	s17 =	sadd.s32 $0x80, s17  }
0x9f: {  	[tilespmem:s17+$0xFFFFFF90] =	vst v8  }
0xa0: {  	v8 =	vld.idx.msk [tilespmem:v9+s16+$0x0], $0xffff;
	_ =	sdelay $0x1  }
0xa1: {  	v9 =	vor.u32 v2, v10;
	_ =	sdelay $0x3  }
0xa2: {  	[tilespmem:s17+$0xFFFFFFA0] =	vst v8  }
0xa3: {  	v8 =	vld.idx.msk [tilespmem:v9+s16+$0x0], $0xffff;
	_ =	sdelay $0x1  }
0xa4: {  	v9 =	vor.u32 v3, v10;
	_ =	sdelay $0x3  }
0xa5: {  	[tilespmem:s17+$0xFFFFFFB0] =	vst v8  }
0xa6: {  	v8 =	vld.idx.msk [tilespmem:v9+s16+$0x0], $0xffff;
	_ =	sdelay $0x1  }
0xa7: {  	v9 =	vor.u32 v4, v10;
	_ =	sdelay $0x3  }
0xa8: {  	[tilespmem:s17+$0xFFFFFFC0] =	vst v8  }
0xa9: {  	v8 =	vld.idx.msk [tilespmem:v9+s16+$0x0], $0xffff;
	_ =	sdelay $0x1  }
0xaa: {  	v9 =	vor.u32 v5, v10;
	_ =	sdelay $0x3  }
0xab: {  	[tilespmem:s17+$0xFFFFFFD0] =	vst v8  }
0xac: {  	v8 =	vld.idx.msk [tilespmem:v9+s16+$0x0], $0xffff;
	_ =	sdelay $0x1  }
0xad: {  	v9 =	vor.u32 v6, v10;
	_ =	sdelay $0x3  }
0xae: {  	[tilespmem:s17+$0xFFFFFFE0] =	vst v8  }
0xaf: {  	v9 =	vld.idx.msk [tilespmem:v9+s16+$0x0], $0xffff  }
.Ltmp1:
0xb0: {  	(pc) =	sbr.rel @p0 .LBB2_5-.Ltmp1, $2  }
0xb1: {  	v8 =	vor.u32 v7, v10;
	_ =	sdelay $0x2  }
0xb2: {  	v10 =	vmov s2;
	s2 =	sadd.s32 $0x1, s2  }
0xb3: {  	_ =	sdelay $0x1  }
0xb4: {  	v10 =	vand.u32 $0x1F, v10  }
0xb5: {  	[tilespmem:s17+$0xFFFFFFF0] =	vst v9;
	v9 =	vbroadcast v10, $0x0  }
0xb6: {  	v8 =	vld.idx.msk [tilespmem:v8+s16+$0x0], $0xffff  }
0xb7: {  	v10 =	vor.u32 v0, v9;
	_ =	sdelay $0x3  }
0xb8: {  	[tilespmem:s17+$0x0] =	vst v8  }
0xb9: {  	v8 =	vld.idx.msk [tilespmem:v10+s16+$0x0], $0xffff  }
0xba: {  	v10 =	vor.u32 v1, v9;
	_ =	sdelay $0x2  }
0xbb: {  	s2 =	sadd.s32 $0x80, s17  }
0xbc: {  	[tilespmem:s2+$0xFFFFFF90] =	vst v8  }
0xbd: {  	v8 =	vld.idx.msk [tilespmem:v10+s16+$0x0], $0xffff  }
0xbe: {  	v10 =	vor.u32 v2, v9;
	_ =	sdelay $0x3  }
0xbf: {  	[tilespmem:s2+$0xFFFFFFA0] =	vst v8  }
0xc0: {  	v8 =	vld.idx.msk [tilespmem:v10+s16+$0x0], $0xffff  }
0xc1: {  	v10 =	vor.u32 v3, v9;
	_ =	sdelay $0x3  }
0xc2: {  	[tilespmem:s2+$0xFFFFFFB0] =	vst v8  }
0xc3: {  	v8 =	vld.idx.msk [tilespmem:v10+s16+$0x0], $0xffff  }
0xc4: {  	v10 =	vor.u32 v4, v9;
	_ =	sdelay $0x3  }
0xc5: {  	[tilespmem:s2+$0xFFFFFFC0] =	vst v8  }
0xc6: {  	v8 =	vld.idx.msk [tilespmem:v10+s16+$0x0], $0xffff  }
0xc7: {  	v10 =	vor.u32 v5, v9;
	_ =	sdelay $0x3  }
0xc8: {  	[tilespmem:s2+$0xFFFFFFD0] =	vst v8  }
0xc9: {  	v8 =	vld.idx.msk [tilespmem:v10+s16+$0x0], $0xffff  }
0xca: {  	v10 =	vor.u32 v6, v9;
	_ =	sdelay $0x3  }
0xcb: {  	[tilespmem:s2+$0xFFFFFFE0] =	vst v8  }
0xcc: {  	v8 =	vld.idx.msk [tilespmem:v10+s16+$0x0], $0xffff  }
0xcd: {  	v9 =	vor.u32 v7, v9;
	_ =	sdelay $0x3  }
0xce: {  	[tilespmem:s2+$0xFFFFFFF0] =	vst v8  }
0xcf: {  	v8 =	vld.idx.msk [tilespmem:v9+s16+$0x0], $0xffff;
	_ =	sdelay $0x4  }
0xd0: {  	s17 =	simm.s32 $0x0;
	[tilespmem:s2+$0x0] =	vst v8;
	s2 =	sadd.s32 s0, s7  }
0xd1: {  	v8 =	vmov s17;
	[hbm4b:s2+s12] =	stream.strided.scatter [tilespmem:s23], [sflag:$0x6], $0x1000, s13, s12, $0x38;
	[tilespmem:$0x7900] =	vst v63  }
0xd2: {  	s17 =	sadd.s32 $0x280, s1;
	v8 =	vand.u32 $0x1F, v8  }
0xd3: {  	v8 =	vbroadcast v8, $0x0;
	[tilespmem:s16], [sflag:$0x2] =	stream.indirect.gather [hbm4b:s3+s12], $0x20, s17, s12, $0xb8;
	[tilespmem:$0x7900] =	vst v63  }
0xd4: {  	_ =	swait.ge [sflag:s24], $0x1000  }
0xd5: {  	v9 =	vor.u32 v0, v8;
	[sflag:s24] =	ssyncset.done $0x0  }
0xd6: {  	[sflag:s24] =	ssyncadd.s32 $0xFFFFF000  }
0xd7: {  	_ =	swait.ge [sflag:s25], $0x1000  }
0xd8: {  	[sflag:s25] =	ssyncset.done $0x0  }
0xd9: {  	[sflag:s25] =	ssyncadd.s32 $0xFFFFF000  }
0xda: {  	v9 =	vld.idx.msk [tilespmem:v9+s18+$0x0], $0xffff  }
0xdb: {  	v10 =	vor.u32 v1, v8;
	_ =	sdelay $0x2  }
0xdc: {  	s17 =	simm.s32 $0x5940  }
0xdd: {  	[tilespmem:s17+$0xFFFFFFC0] =	vst v9  }
0xde: {  	v9 =	vld.idx.msk [tilespmem:v10+s18+$0x0], $0xffff  }
0xdf: {  	v10 =	vor.u32 v2, v8;
	_ =	sdelay $0x3  }
0xe0: {  	[tilespmem:s17+$0xFFFFFFD0] =	vst v9  }
0xe1: {  	v9 =	vld.idx.msk [tilespmem:v10+s18+$0x0], $0xffff  }
0xe2: {  	v10 =	vor.u32 v3, v8;
	_ =	sdelay $0x3  }
0xe3: {  	[tilespmem:s17+$0xFFFFFFE0] =	vst v9  }
0xe4: {  	v9 =	vld.idx.msk [tilespmem:v10+s18+$0x0], $0xffff  }
0xe5: {  	v10 =	vor.u32 v4, v8;
	_ =	sdelay $0x3  }
0xe6: {  	[tilespmem:s17+$0xFFFFFFF0] =	vst v9  }
0xe7: {  	v9 =	vld.idx.msk [tilespmem:v10+s18+$0x0], $0xffff  }
0xe8: {  	v10 =	vor.u32 v5, v8;
	_ =	sdelay $0x3  }
0xe9: {  	[tilespmem:s17+$0x0] =	vst v9  }
0xea: {  	v9 =	vld.idx.msk [tilespmem:v10+s18+$0x0], $0xffff  }
0xeb: {  	v10 =	vor.u32 v6, v8;
	_ =	sdelay $0x3  }
0xec: {  	[tilespmem:s17+$0x10] =	vst v9  }
0xed: {  	v9 =	vld.idx.msk [tilespmem:v10+s18+$0x0], $0xffff  }
0xee: {  	v8 =	vor.u32 v7, v8;
	_ =	sdelay $0x1  }
0xef: {  	s2 =	simm.s32 $0x1  }
0xf0: {  	v10 =	vmov s2;
	s2 =	simm.s32 $0x2  }
.LBB2_7:
0xf1: {  	p0 =	sne.s32 s2, $0x1F;
	v10 =	vand.u32 $0x1F, v10;
	[tilespmem:s17+$0x20] =	vst v9  }
0xf2: {  	v10 =	vbroadcast v10, $0x0;
	v8 =	vld.idx.msk [tilespmem:v8+s18+$0x0], $0xffff;
	_ =	sdelay $0x1  }
0xf3: {  	v9 =	vor.u32 v0, v10;
	_ =	sdelay $0x3  }
0xf4: {  	[tilespmem:s17+$0x30] =	vst v8  }
0xf5: {  	v8 =	vld.idx.msk [tilespmem:v9+s18+$0x0], $0xffff;
	_ =	sdelay $0x1  }
0xf6: {  	v9 =	vor.u32 v1, v10;
	_ =	sdelay $0x2  }
0xf7: {  	s17 =	sadd.s32 $0x80, s17  }
0xf8: {  	[tilespmem:s17+$0xFFFFFFC0] =	vst v8  }
0xf9: {  	v8 =	vld.idx.msk [tilespmem:v9+s18+$0x0], $0xffff;
	_ =	sdelay $0x1  }
0xfa: {  	v9 =	vor.u32 v2, v10;
	_ =	sdelay $0x3  }
0xfb: {  	[tilespmem:s17+$0xFFFFFFD0] =	vst v8  }
0xfc: {  	v8 =	vld.idx.msk [tilespmem:v9+s18+$0x0], $0xffff;
	_ =	sdelay $0x1  }
0xfd: {  	v9 =	vor.u32 v3, v10;
	_ =	sdelay $0x3  }
0xfe: {  	[tilespmem:s17+$0xFFFFFFE0] =	vst v8  }
0xff: {  	v8 =	vld.idx.msk [tilespmem:v9+s18+$0x0], $0xffff;
	_ =	sdelay $0x1  }
0x100: {  	v9 =	vor.u32 v4, v10;
	_ =	sdelay $0x3  }
0x101: {  	[tilespmem:s17+$0xFFFFFFF0] =	vst v8  }
0x102: {  	v8 =	vld.idx.msk [tilespmem:v9+s18+$0x0], $0xffff;
	_ =	sdelay $0x1  }
0x103: {  	v9 =	vor.u32 v5, v10;
	_ =	sdelay $0x3  }
0x104: {  	[tilespmem:s17+$0x0] =	vst v8  }
0x105: {  	v8 =	vld.idx.msk [tilespmem:v9+s18+$0x0], $0xffff;
	_ =	sdelay $0x1  }
0x106: {  	v9 =	vor.u32 v6, v10;
	_ =	sdelay $0x3  }
0x107: {  	[tilespmem:s17+$0x10] =	vst v8  }
0x108: {  	v9 =	vld.idx.msk [tilespmem:v9+s18+$0x0], $0xffff  }
.Ltmp2:
0x109: {  	(pc) =	sbr.rel @p0 .LBB2_7-.Ltmp2, $2  }
0x10a: {  	v8 =	vor.u32 v7, v10;
	_ =	sdelay $0x2  }
0x10b: {  	v10 =	vmov s2;
	s2 =	sadd.s32 $0x1, s2  }
0x10c: {  	_ =	sdelay $0x1  }
0x10d: {  	v10 =	vand.u32 $0x1F, v10  }
0x10e: {  	[tilespmem:s17+$0x20] =	vst v9;
	v9 =	vbroadcast v10, $0x0  }
0x10f: {  	v8 =	vld.idx.msk [tilespmem:v8+s18+$0x0], $0xffff  }
0x110: {  	v10 =	vor.u32 v0, v9;
	_ =	sdelay $0x3  }
0x111: {  	[tilespmem:s17+$0x30] =	vst v8  }
0x112: {  	v8 =	vld.idx.msk [tilespmem:v10+s18+$0x0], $0xffff  }
0x113: {  	v10 =	vor.u32 v1, v9;
	_ =	sdelay $0x2  }
0x114: {  	s2 =	sadd.s32 $0x80, s17  }
0x115: {  	[tilespmem:s2+$0xFFFFFFC0] =	vst v8  }
0x116: {  	v8 =	vld.idx.msk [tilespmem:v10+s18+$0x0], $0xffff  }
0x117: {  	v10 =	vor.u32 v2, v9;
	_ =	sdelay $0x3  }
0x118: {  	[tilespmem:s2+$0xFFFFFFD0] =	vst v8  }
0x119: {  	v8 =	vld.idx.msk [tilespmem:v10+s18+$0x0], $0xffff  }
0x11a: {  	v10 =	vor.u32 v3, v9;
	_ =	sdelay $0x3  }
0x11b: {  	[tilespmem:s2+$0xFFFFFFE0] =	vst v8  }
0x11c: {  	v8 =	vld.idx.msk [tilespmem:v10+s18+$0x0], $0xffff  }
0x11d: {  	v10 =	vor.u32 v4, v9;
	_ =	sdelay $0x3  }
0x11e: {  	[tilespmem:s2+$0xFFFFFFF0] =	vst v8  }
0x11f: {  	v8 =	vld.idx.msk [tilespmem:v10+s18+$0x0], $0xffff  }
0x120: {  	v10 =	vor.u32 v5, v9;
	_ =	sdelay $0x3  }
0x121: {  	[tilespmem:s2+$0x0] =	vst v8  }
0x122: {  	v8 =	vld.idx.msk [tilespmem:v10+s18+$0x0], $0xffff  }
0x123: {  	v10 =	vor.u32 v6, v9;
	_ =	sdelay $0x3  }
0x124: {  	[tilespmem:s2+$0x10] =	vst v8  }
0x125: {  	v8 =	vld.idx.msk [tilespmem:v10+s18+$0x0], $0xffff  }
0x126: {  	v9 =	vor.u32 v7, v9;
	_ =	sdelay $0x3  }
0x127: {  	[tilespmem:s2+$0x20] =	vst v8  }
0x128: {  	v8 =	vld.idx.msk [tilespmem:v9+s18+$0x0], $0xffff;
	_ =	sdelay $0x4  }
0x129: {  	s0 =	sadd.s32 s0, s8;
	p0 =	seq.s32 s30, $0xB;
	[tilespmem:s2+$0x30] =	vst v8;
	s2 =	simm.s32 $0x0  }
0x12a: {  	[hbm4b:s0+s12] =	stream.strided.scatter [tilespmem:s21], [sflag:$0x5], $0x1000, s13, s12, $0x38;
	v8 =	vmov s2;
	[tilespmem:$0x7900] =	vst v63  }
0x12b: {  	s0 =	sadd.s32 @!p0 $0x300, s1;
	s1 =	simm.s32 @!p0 $0x80;
	s2 =	simm.s32 @!p0 $0x3900;
	v8 =	vand.u32 $0x1F, v8  }
0x12c: {  	[tilespmem:s2], [sflag:$0x3] =	stream.indirect.gather @!p0 [hbm4b:s3+s1], $0x20, s0, s1, $0xb8;
	v8 =	vbroadcast v8, $0x0;
	[tilespmem:$0x7900] =	vst v63  }
0x12d: {  	_ =	swait.ge [sflag:s26], $0x1000  }
0x12e: {  	[sflag:s26] =	ssyncset.done $0x0;
	v9 =	vor.u32 v0, v8  }
0x12f: {  	[sflag:s26] =	ssyncadd.s32 $0xFFFFF000  }
0x130: {  	_ =	swait.ge [sflag:s28], $0x1000  }
0x131: {  	[sflag:s28] =	ssyncset.done $0x0  }
0x132: {  	[sflag:s28] =	ssyncadd.s32 $0xFFFFF000  }
0x133: {  	v9 =	vld.idx.msk [tilespmem:v9+s19+$0x0], $0xffff  }
0x134: {  	v10 =	vor.u32 v1, v8;
	_ =	sdelay $0x2  }
0x135: {  	s0 =	simm.s32 $0x6970  }
0x136: {  	[tilespmem:s0+$0xFFFFFF90] =	vst v9  }
0x137: {  	v9 =	vld.idx.msk [tilespmem:v10+s19+$0x0], $0xffff  }
0x138: {  	v10 =	vor.u32 v2, v8;
	_ =	sdelay $0x3  }
0x139: {  	[tilespmem:s0+$0xFFFFFFA0] =	vst v9  }
0x13a: {  	v9 =	vld.idx.msk [tilespmem:v10+s19+$0x0], $0xffff  }
0x13b: {  	v10 =	vor.u32 v3, v8;
	_ =	sdelay $0x3  }
0x13c: {  	[tilespmem:s0+$0xFFFFFFB0] =	vst v9  }
0x13d: {  	v9 =	vld.idx.msk [tilespmem:v10+s19+$0x0], $0xffff  }
0x13e: {  	v10 =	vor.u32 v4, v8;
	_ =	sdelay $0x3  }
0x13f: {  	[tilespmem:s0+$0xFFFFFFC0] =	vst v9  }
0x140: {  	v9 =	vld.idx.msk [tilespmem:v10+s19+$0x0], $0xffff  }
0x141: {  	v10 =	vor.u32 v5, v8;
	_ =	sdelay $0x3  }
0x142: {  	[tilespmem:s0+$0xFFFFFFD0] =	vst v9  }
0x143: {  	v9 =	vld.idx.msk [tilespmem:v10+s19+$0x0], $0xffff  }
0x144: {  	v10 =	vor.u32 v6, v8;
	_ =	sdelay $0x3  }
0x145: {  	[tilespmem:s0+$0xFFFFFFE0] =	vst v9  }
0x146: {  	v9 =	vld.idx.msk [tilespmem:v10+s19+$0x0], $0xffff  }
0x147: {  	v8 =	vor.u32 v7, v8;
	_ =	sdelay $0x1  }
0x148: {  	s17 =	simm.s32 $0x1  }
0x149: {  	s1 =	simm.s32 $0x2;
	v10 =	vmov s17  }
.LBB2_9:
0x14a: {  	p0 =	sne.s32 s1, $0x1F;
	v10 =	vand.u32 $0x1F, v10;
	[tilespmem:s0+$0xFFFFFFF0] =	vst v9  }
0x14b: {  	v10 =	vbroadcast v10, $0x0;
	v8 =	vld.idx.msk [tilespmem:v8+s19+$0x0], $0xffff;
	_ =	sdelay $0x1  }
0x14c: {  	v9 =	vor.u32 v0, v10;
	_ =	sdelay $0x3  }
0x14d: {  	[tilespmem:s0+$0x0] =	vst v8  }
0x14e: {  	v8 =	vld.idx.msk [tilespmem:v9+s19+$0x0], $0xffff;
	_ =	sdelay $0x1  }
0x14f: {  	v9 =	vor.u32 v1, v10;
	_ =	sdelay $0x2  }
0x150: {  	s0 =	sadd.s32 $0x80, s0  }
0x151: {  	[tilespmem:s0+$0xFFFFFF90] =	vst v8  }
0x152: {  	v8 =	vld.idx.msk [tilespmem:v9+s19+$0x0], $0xffff;
	_ =	sdelay $0x1  }
0x153: {  	v9 =	vor.u32 v2, v10;
	_ =	sdelay $0x3  }
0x154: {  	[tilespmem:s0+$0xFFFFFFA0] =	vst v8  }
0x155: {  	v8 =	vld.idx.msk [tilespmem:v9+s19+$0x0], $0xffff;
	_ =	sdelay $0x1  }
0x156: {  	v9 =	vor.u32 v3, v10;
	_ =	sdelay $0x3  }
0x157: {  	[tilespmem:s0+$0xFFFFFFB0] =	vst v8  }
0x158: {  	v8 =	vld.idx.msk [tilespmem:v9+s19+$0x0], $0xffff;
	_ =	sdelay $0x1  }
0x159: {  	v9 =	vor.u32 v4, v10;
	_ =	sdelay $0x3  }
0x15a: {  	[tilespmem:s0+$0xFFFFFFC0] =	vst v8  }
0x15b: {  	v8 =	vld.idx.msk [tilespmem:v9+s19+$0x0], $0xffff;
	_ =	sdelay $0x1  }
0x15c: {  	v9 =	vor.u32 v5, v10;
	_ =	sdelay $0x3  }
0x15d: {  	[tilespmem:s0+$0xFFFFFFD0] =	vst v8  }
0x15e: {  	v8 =	vld.idx.msk [tilespmem:v9+s19+$0x0], $0xffff;
	_ =	sdelay $0x1  }
0x15f: {  	v9 =	vor.u32 v6, v10;
	_ =	sdelay $0x3  }
0x160: {  	[tilespmem:s0+$0xFFFFFFE0] =	vst v8  }
0x161: {  	v9 =	vld.idx.msk [tilespmem:v9+s19+$0x0], $0xffff  }
.Ltmp3:
0x162: {  	(pc) =	sbr.rel @p0 .LBB2_9-.Ltmp3, $2  }
0x163: {  	v8 =	vor.u32 v7, v10;
	_ =	sdelay $0x2  }
0x164: {  	v10 =	vmov s1;
	s1 =	sadd.s32 $0x1, s1  }
0x165: {  	_ =	sdelay $0x1  }
0x166: {  	v10 =	vand.u32 $0x1F, v10  }
0x167: {  	[tilespmem:s0+$0xFFFFFFF0] =	vst v9;
	v57 =	vbroadcast v10, $0x0  }
0x168: {  	v8 =	vld.idx.msk [tilespmem:v8+s19+$0x0], $0xffff  }
0x169: {  	v10 =	vor.u32 v0, v57;
	_ =	sdelay $0x3  }
0x16a: {  	[tilespmem:s0+$0x0] =	vst v8  }
0x16b: {  	v8 =	vld.idx.msk [tilespmem:v10+s19+$0x0], $0xffff  }
0x16c: {  	v58 =	vor.u32 v1, v57;
	_ =	sdelay $0x2  }
0x16d: {  	s17 =	sadd.s32 $0x80, s0  }
0x16e: {  	[tilespmem:s17+$0xFFFFFF90] =	vst v8  }
0x16f: {  	v8 =	vld.idx.msk [tilespmem:v58+s19+$0x0], $0xffff  }
0x170: {  	v59 =	vor.u32 v2, v57;
	_ =	sdelay $0x3  }
0x171: {  	[tilespmem:s17+$0xFFFFFFA0] =	vst v8  }
0x172: {  	v8 =	vld.idx.msk [tilespmem:v59+s19+$0x0], $0xffff  }
0x173: {  	v60 =	vor.u32 v3, v57;
	_ =	sdelay $0x3  }
0x174: {  	[tilespmem:s17+$0xFFFFFFB0] =	vst v8  }
0x175: {  	v8 =	vld.idx.msk [tilespmem:v60+s19+$0x0], $0xffff  }
0x176: {  	v61 =	vor.u32 v4, v57;
	_ =	sdelay $0x3  }
0x177: {  	[tilespmem:s17+$0xFFFFFFC0] =	vst v8  }
0x178: {  	v8 =	vld.idx.msk [tilespmem:v61+s19+$0x0], $0xffff  }
0x179: {  	v62 =	vor.u32 v5, v57;
	_ =	sdelay $0x3  }
0x17a: {  	[tilespmem:s17+$0xFFFFFFD0] =	vst v8  }
0x17b: {  	v8 =	vld.idx.msk [tilespmem:v62+s19+$0x0], $0xffff  }
0x17c: {  	v63 =	vor.u32 v6, v57;
	_ =	sdelay $0x3  }
0x17d: {  	[tilespmem:s17+$0xFFFFFFE0] =	vst v8  }
0x17e: {  	v8 =	vld.idx.msk [tilespmem:v63+s19+$0x0], $0xffff  }
0x17f: {  	v9 =	vor.u32 v7, v57;
	_ =	sdelay $0x3  }
0x180: {  	[tilespmem:s17+$0xFFFFFFF0] =	vst v8  }
0x181: {  	s30 =	sadd.s32 $0x1, s30;
	v8 =	vld.idx.msk [tilespmem:v9+s19+$0x0], $0xffff  }
0x182: {  	p0 =	sne.s32 s30, $0xC  }
.Ltmp4:
0x183: {  	s1 =	sshll.u32 s31, $0x11;
	(pc) =	sbr.rel @p0 .LBB2_2-.Ltmp4, $4  }
0x184: {  	s1 =	sor.u32 s4, s1  }
0x185: {  	s1 =	sshrl.u32 s1, $0x3  }
0x186: {  	s31 =	sadd.s32 s5, s1;
	[tilespmem:s17+$0x0] =	vst v8  }
0x187: {  	[hbm4b:s31+s12] =	stream.strided.scatter [tilespmem:s23], [sflag:$0x6], $0x1000, s13, s12, $0x38;
	[tilespmem:$0x7900] =	vst v63  }
0x188: {  	s0 =	simm.s32 $0x0  }
0x189: {  	v8 =	vmov s0  }
0x18a: {  	v8 =	vand.u32 $0x1F, v8  }
0x18b: {  	v8 =	vbroadcast v8, $0x0  }
0x18c: {  	_ =	swait.ge [sflag:s20], $0x1000  }
0x18d: {  	[sflag:s20] =	ssyncset.done $0x0;
	v9 =	vor.u32 v0, v8  }
0x18e: {  	[sflag:s20] =	ssyncadd.s32 $0xFFFFF000  }
0x18f: {  	_ =	swait.ge [sflag:s25], $0x1000  }
0x190: {  	[sflag:s25] =	ssyncset.done $0x0  }
0x191: {  	[sflag:s25] =	ssyncadd.s32 $0xFFFFF000  }
0x192: {  	v9 =	vld.idx.msk [tilespmem:v9+s15+$0x0], $0xffff  }
0x193: {  	v10 =	vor.u32 v1, v8;
	_ =	sdelay $0x2  }
0x194: {  	s0 =	simm.s32 $0x5940  }
0x195: {  	[tilespmem:s0+$0xFFFFFFC0] =	vst v9  }
0x196: {  	v9 =	vld.idx.msk [tilespmem:v10+s15+$0x0], $0xffff  }
0x197: {  	v10 =	vor.u32 v2, v8;
	_ =	sdelay $0x3  }
0x198: {  	[tilespmem:s0+$0xFFFFFFD0] =	vst v9  }
0x199: {  	v9 =	vld.idx.msk [tilespmem:v10+s15+$0x0], $0xffff  }
0x19a: {  	v10 =	vor.u32 v3, v8;
	_ =	sdelay $0x3  }
0x19b: {  	[tilespmem:s0+$0xFFFFFFE0] =	vst v9  }
0x19c: {  	v9 =	vld.idx.msk [tilespmem:v10+s15+$0x0], $0xffff  }
0x19d: {  	v10 =	vor.u32 v4, v8;
	_ =	sdelay $0x3  }
0x19e: {  	[tilespmem:s0+$0xFFFFFFF0] =	vst v9  }
0x19f: {  	v9 =	vld.idx.msk [tilespmem:v10+s15+$0x0], $0xffff  }
0x1a0: {  	v10 =	vor.u32 v5, v8;
	_ =	sdelay $0x3  }
0x1a1: {  	[tilespmem:s0+$0x0] =	vst v9  }
0x1a2: {  	v9 =	vld.idx.msk [tilespmem:v10+s15+$0x0], $0xffff  }
0x1a3: {  	v10 =	vor.u32 v6, v8;
	_ =	sdelay $0x3  }
0x1a4: {  	[tilespmem:s0+$0x10] =	vst v9  }
0x1a5: {  	v9 =	vld.idx.msk [tilespmem:v10+s15+$0x0], $0xffff  }
0x1a6: {  	v8 =	vor.u32 v7, v8;
	_ =	sdelay $0x1  }
0x1a7: {  	s1 =	simm.s32 $0x1  }
0x1a8: {  	v10 =	vmov s1;
	s1 =	simm.s32 $0x2  }
.LBB2_12:
0x1a9: {  	p0 =	sne.s32 s1, $0x1F;
	v10 =	vand.u32 $0x1F, v10;
	[tilespmem:s0+$0x20] =	vst v9  }
0x1aa: {  	v10 =	vbroadcast v10, $0x0;
	v8 =	vld.idx.msk [tilespmem:v8+s15+$0x0], $0xffff;
	_ =	sdelay $0x1  }
0x1ab: {  	v9 =	vor.u32 v0, v10;
	_ =	sdelay $0x3  }
0x1ac: {  	[tilespmem:s0+$0x30] =	vst v8  }
0x1ad: {  	v8 =	vld.idx.msk [tilespmem:v9+s15+$0x0], $0xffff;
	_ =	sdelay $0x1  }
0x1ae: {  	v9 =	vor.u32 v1, v10;
	_ =	sdelay $0x2  }
0x1af: {  	s0 =	sadd.s32 $0x80, s0  }
0x1b0: {  	[tilespmem:s0+$0xFFFFFFC0] =	vst v8  }
0x1b1: {  	v8 =	vld.idx.msk [tilespmem:v9+s15+$0x0], $0xffff;
	_ =	sdelay $0x1  }
0x1b2: {  	v9 =	vor.u32 v2, v10;
	_ =	sdelay $0x3  }
0x1b3: {  	[tilespmem:s0+$0xFFFFFFD0] =	vst v8  }
0x1b4: {  	v8 =	vld.idx.msk [tilespmem:v9+s15+$0x0], $0xffff;
	_ =	sdelay $0x1  }
0x1b5: {  	v9 =	vor.u32 v3, v10;
	_ =	sdelay $0x3  }
0x1b6: {  	[tilespmem:s0+$0xFFFFFFE0] =	vst v8  }
0x1b7: {  	v8 =	vld.idx.msk [tilespmem:v9+s15+$0x0], $0xffff;
	_ =	sdelay $0x1  }
0x1b8: {  	v9 =	vor.u32 v4, v10;
	_ =	sdelay $0x3  }
0x1b9: {  	[tilespmem:s0+$0xFFFFFFF0] =	vst v8  }
0x1ba: {  	v8 =	vld.idx.msk [tilespmem:v9+s15+$0x0], $0xffff;
	_ =	sdelay $0x1  }
0x1bb: {  	v9 =	vor.u32 v5, v10;
	_ =	sdelay $0x3  }
0x1bc: {  	[tilespmem:s0+$0x0] =	vst v8  }
0x1bd: {  	v8 =	vld.idx.msk [tilespmem:v9+s15+$0x0], $0xffff;
	_ =	sdelay $0x1  }
0x1be: {  	v9 =	vor.u32 v6, v10;
	_ =	sdelay $0x3  }
0x1bf: {  	[tilespmem:s0+$0x10] =	vst v8  }
0x1c0: {  	v9 =	vld.idx.msk [tilespmem:v9+s15+$0x0], $0xffff  }
.Ltmp5:
0x1c1: {  	(pc) =	sbr.rel @p0 .LBB2_12-.Ltmp5, $2  }
0x1c2: {  	v8 =	vor.u32 v7, v10;
	_ =	sdelay $0x2  }
0x1c3: {  	v10 =	vmov s1;
	s1 =	sadd.s32 $0x1, s1  }
0x1c4: {  	_ =	sdelay $0x1  }
0x1c5: {  	v10 =	vand.u32 $0x1F, v10  }
0x1c6: {  	[tilespmem:s0+$0x20] =	vst v9;
	v9 =	vbroadcast v10, $0x0  }
0x1c7: {  	v8 =	vld.idx.msk [tilespmem:v8+s15+$0x0], $0xffff  }
0x1c8: {  	v10 =	vor.u32 v0, v9;
	_ =	sdelay $0x3  }
0x1c9: {  	[tilespmem:s0+$0x30] =	vst v8  }
0x1ca: {  	v8 =	vld.idx.msk [tilespmem:v10+s15+$0x0], $0xffff  }
0x1cb: {  	v10 =	vor.u32 v1, v9;
	_ =	sdelay $0x2  }
0x1cc: {  	s30 =	sadd.s32 $0x80, s0  }
0x1cd: {  	[tilespmem:s30+$0xFFFFFFC0] =	vst v8  }
0x1ce: {  	v8 =	vld.idx.msk [tilespmem:v10+s15+$0x0], $0xffff  }
0x1cf: {  	v10 =	vor.u32 v2, v9;
	_ =	sdelay $0x3  }
0x1d0: {  	[tilespmem:s30+$0xFFFFFFD0] =	vst v8  }
0x1d1: {  	v8 =	vld.idx.msk [tilespmem:v10+s15+$0x0], $0xffff  }
0x1d2: {  	v10 =	vor.u32 v3, v9;
	_ =	sdelay $0x3  }
0x1d3: {  	[tilespmem:s30+$0xFFFFFFE0] =	vst v8  }
0x1d4: {  	v8 =	vld.idx.msk [tilespmem:v10+s15+$0x0], $0xffff  }
0x1d5: {  	v10 =	vor.u32 v4, v9;
	_ =	sdelay $0x3  }
0x1d6: {  	[tilespmem:s30+$0xFFFFFFF0] =	vst v8  }
0x1d7: {  	v8 =	vld.idx.msk [tilespmem:v10+s15+$0x0], $0xffff  }
0x1d8: {  	v10 =	vor.u32 v5, v9;
	_ =	sdelay $0x3  }
0x1d9: {  	[tilespmem:s30+$0x0] =	vst v8  }
0x1da: {  	v8 =	vld.idx.msk [tilespmem:v10+s15+$0x0], $0xffff  }
0x1db: {  	v10 =	vor.u32 v6, v9;
	_ =	sdelay $0x3  }
0x1dc: {  	[tilespmem:s30+$0x10] =	vst v8  }
0x1dd: {  	v8 =	vld.idx.msk [tilespmem:v10+s15+$0x0], $0xffff  }
0x1de: {  	v9 =	vor.u32 v7, v9;
	_ =	sdelay $0x3  }
0x1df: {  	[tilespmem:s30+$0x20] =	vst v8  }
0x1e0: {  	v8 =	vld.idx.msk [tilespmem:v9+s15+$0x0], $0xffff;
	_ =	sdelay $0x2  }
0x1e1: {  	s1 =	simm.s32 $0x0  }
0x1e2: {  	v9 =	vmov s1  }
0x1e3: {  	[tilespmem:s30+$0x30] =	vst v8;
	v8 =	vand.u32 $0x1F, v9  }
0x1e4: {  	[hbm4b:s9+s12] =	stream.strided.scatter [tilespmem:s21], [sflag:$0x5], $0x1000, s13, s12, $0x38;
	v8 =	vbroadcast v8, $0x0;
	[tilespmem:$0x7900] =	vst v63  }
0x1e5: {  	_ =	swait.ge [sflag:s22], $0x1000  }
0x1e6: {  	[sflag:s22] =	ssyncset.done $0x0;
	v9 =	vor.u32 v0, v8  }
0x1e7: {  	[sflag:s22] =	ssyncadd.s32 $0xFFFFF000  }
0x1e8: {  	_ =	swait.ge [sflag:s28], $0x1000  }
0x1e9: {  	[sflag:s28] =	ssyncset.done $0x0  }
0x1ea: {  	[sflag:s28] =	ssyncadd.s32 $0xFFFFF000  }
0x1eb: {  	v9 =	vld.idx.msk [tilespmem:v9+s16+$0x0], $0xffff  }
0x1ec: {  	v10 =	vor.u32 v1, v8;
	_ =	sdelay $0x2  }
0x1ed: {  	s0 =	simm.s32 $0x6970  }
0x1ee: {  	[tilespmem:s0+$0xFFFFFF90] =	vst v9  }
0x1ef: {  	v9 =	vld.idx.msk [tilespmem:v10+s16+$0x0], $0xffff  }
0x1f0: {  	v10 =	vor.u32 v2, v8;
	_ =	sdelay $0x3  }
0x1f1: {  	[tilespmem:s0+$0xFFFFFFA0] =	vst v9  }
0x1f2: {  	v9 =	vld.idx.msk [tilespmem:v10+s16+$0x0], $0xffff  }
0x1f3: {  	v10 =	vor.u32 v3, v8;
	_ =	sdelay $0x3  }
0x1f4: {  	[tilespmem:s0+$0xFFFFFFB0] =	vst v9  }
0x1f5: {  	v9 =	vld.idx.msk [tilespmem:v10+s16+$0x0], $0xffff  }
0x1f6: {  	v10 =	vor.u32 v4, v8;
	_ =	sdelay $0x3  }
0x1f7: {  	[tilespmem:s0+$0xFFFFFFC0] =	vst v9  }
0x1f8: {  	v9 =	vld.idx.msk [tilespmem:v10+s16+$0x0], $0xffff  }
0x1f9: {  	v10 =	vor.u32 v5, v8;
	_ =	sdelay $0x3  }
0x1fa: {  	[tilespmem:s0+$0xFFFFFFD0] =	vst v9  }
0x1fb: {  	v9 =	vld.idx.msk [tilespmem:v10+s16+$0x0], $0xffff  }
0x1fc: {  	v10 =	vor.u32 v6, v8;
	_ =	sdelay $0x3  }
0x1fd: {  	[tilespmem:s0+$0xFFFFFFE0] =	vst v9  }
0x1fe: {  	v9 =	vld.idx.msk [tilespmem:v10+s16+$0x0], $0xffff  }
0x1ff: {  	v8 =	vor.u32 v7, v8;
	_ =	sdelay $0x1  }
0x200: {  	s31 =	simm.s32 $0x1  }
0x201: {  	s1 =	simm.s32 $0x2;
	v10 =	vmov s31  }
.LBB2_14:
0x202: {  	p0 =	sne.s32 s1, $0x1F;
	v10 =	vand.u32 $0x1F, v10;
	[tilespmem:s0+$0xFFFFFFF0] =	vst v9  }
0x203: {  	v10 =	vbroadcast v10, $0x0;
	v8 =	vld.idx.msk [tilespmem:v8+s16+$0x0], $0xffff;
	_ =	sdelay $0x1  }
0x204: {  	v9 =	vor.u32 v0, v10;
	_ =	sdelay $0x3  }
0x205: {  	[tilespmem:s0+$0x0] =	vst v8  }
0x206: {  	v8 =	vld.idx.msk [tilespmem:v9+s16+$0x0], $0xffff;
	_ =	sdelay $0x1  }
0x207: {  	v9 =	vor.u32 v1, v10;
	_ =	sdelay $0x2  }
0x208: {  	s0 =	sadd.s32 $0x80, s0  }
0x209: {  	[tilespmem:s0+$0xFFFFFF90] =	vst v8  }
0x20a: {  	v8 =	vld.idx.msk [tilespmem:v9+s16+$0x0], $0xffff;
	_ =	sdelay $0x1  }
0x20b: {  	v9 =	vor.u32 v2, v10;
	_ =	sdelay $0x3  }
0x20c: {  	[tilespmem:s0+$0xFFFFFFA0] =	vst v8  }
0x20d: {  	v8 =	vld.idx.msk [tilespmem:v9+s16+$0x0], $0xffff;
	_ =	sdelay $0x1  }
0x20e: {  	v9 =	vor.u32 v3, v10;
	_ =	sdelay $0x3  }
0x20f: {  	[tilespmem:s0+$0xFFFFFFB0] =	vst v8  }
0x210: {  	v8 =	vld.idx.msk [tilespmem:v9+s16+$0x0], $0xffff;
	_ =	sdelay $0x1  }
0x211: {  	v9 =	vor.u32 v4, v10;
	_ =	sdelay $0x3  }
0x212: {  	[tilespmem:s0+$0xFFFFFFC0] =	vst v8  }
0x213: {  	v8 =	vld.idx.msk [tilespmem:v9+s16+$0x0], $0xffff;
	_ =	sdelay $0x1  }
0x214: {  	v9 =	vor.u32 v5, v10;
	_ =	sdelay $0x3  }
0x215: {  	[tilespmem:s0+$0xFFFFFFD0] =	vst v8  }
0x216: {  	v8 =	vld.idx.msk [tilespmem:v9+s16+$0x0], $0xffff;
	_ =	sdelay $0x1  }
0x217: {  	v9 =	vor.u32 v6, v10;
	_ =	sdelay $0x3  }
0x218: {  	[tilespmem:s0+$0xFFFFFFE0] =	vst v8  }
0x219: {  	v9 =	vld.idx.msk [tilespmem:v9+s16+$0x0], $0xffff  }
.Ltmp6:
0x21a: {  	(pc) =	sbr.rel @p0 .LBB2_14-.Ltmp6, $2  }
0x21b: {  	v8 =	vor.u32 v7, v10;
	_ =	sdelay $0x2  }
0x21c: {  	v10 =	vmov s1;
	s1 =	sadd.s32 $0x1, s1  }
0x21d: {  	_ =	sdelay $0x1  }
0x21e: {  	v10 =	vand.u32 $0x1F, v10  }
0x21f: {  	[tilespmem:s0+$0xFFFFFFF0] =	vst v9;
	v57 =	vbroadcast v10, $0x0  }
0x220: {  	v8 =	vld.idx.msk [tilespmem:v8+s16+$0x0], $0xffff  }
0x221: {  	v10 =	vor.u32 v0, v57;
	_ =	sdelay $0x3  }
0x222: {  	[tilespmem:s0+$0x0] =	vst v8  }
0x223: {  	v8 =	vld.idx.msk [tilespmem:v10+s16+$0x0], $0xffff  }
0x224: {  	v58 =	vor.u32 v1, v57;
	_ =	sdelay $0x2  }
0x225: {  	s31 =	sadd.s32 $0x80, s0  }
0x226: {  	[tilespmem:s31+$0xFFFFFF90] =	vst v8  }
0x227: {  	v8 =	vld.idx.msk [tilespmem:v58+s16+$0x0], $0xffff  }
0x228: {  	v59 =	vor.u32 v2, v57;
	_ =	sdelay $0x3  }
0x229: {  	[tilespmem:s31+$0xFFFFFFA0] =	vst v8  }
0x22a: {  	v8 =	vld.idx.msk [tilespmem:v59+s16+$0x0], $0xffff  }
0x22b: {  	v60 =	vor.u32 v3, v57;
	_ =	sdelay $0x3  }
0x22c: {  	[tilespmem:s31+$0xFFFFFFB0] =	vst v8  }
0x22d: {  	v8 =	vld.idx.msk [tilespmem:v60+s16+$0x0], $0xffff  }
0x22e: {  	v61 =	vor.u32 v4, v57;
	_ =	sdelay $0x3  }
0x22f: {  	[tilespmem:s31+$0xFFFFFFC0] =	vst v8  }
0x230: {  	v8 =	vld.idx.msk [tilespmem:v61+s16+$0x0], $0xffff  }
0x231: {  	v62 =	vor.u32 v5, v57;
	_ =	sdelay $0x3  }
0x232: {  	[tilespmem:s31+$0xFFFFFFD0] =	vst v8  }
0x233: {  	v8 =	vld.idx.msk [tilespmem:v62+s16+$0x0], $0xffff  }
0x234: {  	v63 =	vor.u32 v6, v57;
	_ =	sdelay $0x3  }
0x235: {  	[tilespmem:s31+$0xFFFFFFE0] =	vst v8  }
0x236: {  	v8 =	vld.idx.msk [tilespmem:v63+s16+$0x0], $0xffff  }
0x237: {  	v9 =	vor.u32 v7, v57;
	_ =	sdelay $0x3  }
0x238: {  	[tilespmem:s31+$0xFFFFFFF0] =	vst v8  }
0x239: {  	v8 =	vld.idx.msk [tilespmem:v9+s16+$0x0], $0xffff;
	_ =	sdelay $0x4  }
0x23a: {  	s29 =	sadd.s32 $0x1, s29;
	[tilespmem:s31+$0x0] =	vst v8  }
0x23b: {  	[hbm4b:s10+s12] =	stream.strided.scatter [tilespmem:s23], [sflag:$0x6], $0x1000, s13, s12, $0x38;
	[tilespmem:$0x7900] =	vst v63  }
0x23c: {  	p0 =	sne.s32 s29, s11;
	_ =	swait.ge [sflag:s25], $0x1000  }
.Ltmp7:
0x23d: {  	[sflag:s25] =	ssyncset.done $0x0;
	(pc) =	sbr.rel @p0 .LBB2_1-.Ltmp7, $4  }
0x23e: {  	[sflag:s25] =	ssyncadd.s32 $0xFFFFF000  }
0x23f: {  	_ =	swait.ge [sflag:s28], $0x1000  }
0x240: {  	[sflag:s28] =	ssyncset.done $0x0  }
0x241: {  	[sflag:s28] =	ssyncadd.s32 $0xFFFFF000  }
0x242: {  	_ =	sfence.sel $0x180000  }
0x243: {  	[bflag:$0x0] =	sbarrier.arrive $0xFFFF  }
0x244: {  	_ =	strace $0x90000047  }
0x245: {  	s0 =	stileid.u32;
	[bflag:$0x2] =	sbarrier.arrive $0xFFFF  }
0x246: {  	p0 =	sne.s32 s0, $0x0;
	s0 =	rddreg [dreg:$0x2]  }
0x247: {  	s0 =	sadd.s32 @!p0 $0x100000, s0  }
0x248: {  	[sflag:s0] =	ssyncadd.tile.s32 @!p0 $0x1;
	_ =	shalt  }
.Lfunc_end2:
_tile_overlayer_lowered:
.L_overlay_start_2:
0x249: {  	(tag) =	ssettag $0x2  }
0x24a: {  	s0 =	rddreg [dreg:$0x0];
	s2 =	stileid.u32  }
0x24b: {  	s1 =	rddreg [dreg:$0x1];
	p0 =	sne.s32 s2, $0x0  }
0x24c: {  	s3 =	rddreg [dreg:$0x2];
	[bflag:$0x3] =	sbarrier.arrive $0xFFFF;
	s2 =	simm.s32 @!p0 $0x1C07  }
0x24d: {  	[timem:s3], [sflag:s2] =	dma.local @!p0 [hbm:s0], s1  }
0x24e: {  	s0 =	simm.s32 @!p0 $0x7  }
0x24f: {  	_ =	swait.ge @!p0 [sflag:s0], s1  }
0x250: {  	s1 =	ssub.s32 @!p0 $0x0, s1;
	[sflag:s0] =	ssyncset.done @!p0 $0x0  }
0x251: {  	[sflag:s0] =	ssyncadd.s32 @!p0 s1  }
0x252: {  	[bflag:$0x3] =	sbarrier.arrive $0xFFFF  }
0x253: {  	_ =	shalt  }

</sc_bundles>
